<compile_context>
chip_gen: v7x
topology: tpu7x:2x2x1
jax: 0.10.2.dev20260603
libtpu: 0.0.44.dev20260713+nightly
codegen_flags: <defaults>
</compile_context>

<pallas_src>
import functools

import jax
import jax.numpy as jnp
from jax import lax
from jax.experimental import pallas as pl
from jax.experimental.pallas import tpu as pltpu
from jax.experimental.pallas import tpu_sc as plsc

N = 10000
D = 128
E = 320000
NC = 2
NS = 16
NW = NC * NS
CHUNK = 128
NCH = 79
EPT = NCH * CHUNK
E_PAD = NW * EPT
N_PAD = 10240
RPT = N_PAD // NS

_MESH = plsc.VectorSubcoreMesh(core_axis_name="c", subcore_axis_name="s")


@functools.partial(
    pl.kernel,
    out_type=jax.ShapeDtypeStruct((NC, N_PAD, D), jnp.float32),
    mesh=_MESH,
    scratch_types=[
        pltpu.VMEM((NCH, CHUNK), jnp.int32),
        pltpu.VMEM((CHUNK, D), jnp.float32),
        pltpu.VMEM_SHARED((N_PAD, D), jnp.float32),
    ],
)
def _sc_degree(dst_hbm, zeros_hbm, ones_hbm, out_hbm, idx_v, rows, acc_sh):
    c = lax.axis_index("c")
    s = lax.axis_index("s")
    wid = c * NS + s
    pltpu.sync_copy(dst_hbm.at[wid], idx_v)
    pltpu.sync_copy(zeros_hbm, rows)

    def _zero(z, _):
        pltpu.sync_copy(rows, acc_sh.at[pl.ds(s * RPT + z * CHUNK, CHUNK)])
        return 0

    lax.fori_loop(0, RPT // CHUNK, _zero, 0)
    pltpu.sync_copy(ones_hbm, rows)
    plsc.subcore_barrier()

    def _count(j, _):
        pltpu.sync_copy(rows, acc_sh.at[idx_v.at[j]], add=True)
        return 0

    lax.fori_loop(0, NCH, _count, 0)
    plsc.subcore_barrier()
    pltpu.sync_copy(acc_sh.at[pl.ds(s * RPT, RPT)],
                    out_hbm.at[c, pl.ds(s * RPT, RPT)])


@functools.partial(
    pl.kernel,
    out_type=jax.ShapeDtypeStruct((NC, N_PAD, D), jnp.float32),
    mesh=_MESH,
    scratch_types=[
        pltpu.VMEM((NCH, CHUNK), jnp.int32),
        pltpu.VMEM((NCH, CHUNK), jnp.int32),
        pltpu.VMEM((CHUNK, D), jnp.float32),
        pltpu.VMEM_SHARED((N_PAD, D), jnp.float32),
        pltpu.SemaphoreType.DMA,
    ],
)
def _sc_edge_pass(y_hbm, src_hbm, dst_hbm, zeros_hbm, out_hbm,
                  sidx, didx, rows, acc_sh, gsem):
    c = lax.axis_index("c")
    s = lax.axis_index("s")
    wid = c * NS + s
    pltpu.sync_copy(src_hbm.at[wid], sidx)
    pltpu.sync_copy(dst_hbm.at[wid], didx)
    pltpu.sync_copy(zeros_hbm, rows)

    def _zero(z, _):
        pltpu.sync_copy(rows, acc_sh.at[pl.ds(s * RPT + z * CHUNK, CHUNK)])
        return 0

    lax.fori_loop(0, RPT // CHUNK, _zero, 0)
    plsc.subcore_barrier()

    def _edge_chunk(j, _):
        pltpu.async_copy(y_hbm.at[sidx.at[j]], rows, gsem).wait()
        pltpu.sync_copy(rows, acc_sh.at[didx.at[j]], add=True)
        return 0

    lax.fori_loop(0, NCH, _edge_chunk, 0)
    plsc.subcore_barrier()
    pltpu.sync_copy(acc_sh.at[pl.ds(s * RPT, RPT)],
                    out_hbm.at[c, pl.ds(s * RPT, RPT)])


_R = 1024


def _dinv_of(deg_ref):
    d16 = deg_ref[...]
    return lax.rsqrt(1.0 + d16[0, :, 0] + d16[1, :, 0])[:, None]


def _tc_pre_body(deg_ref, x_ref, w_ref, y_ref):
    y_ref[...] = _dinv_of(deg_ref) * jnp.dot(
        x_ref[...], w_ref[...], preferred_element_type=jnp.float32)


def _tc_mid_body(deg_ref, acc_ref, y_ref, b_ref, w_ref, out_ref):
    dinv = _dinv_of(deg_ref)
    x2 = jnp.maximum(
        dinv * (acc_ref[0] + acc_ref[1] + y_ref[...]) + b_ref[...], 0.0)
    out_ref[...] = dinv * jnp.dot(
        x2, w_ref[...], preferred_element_type=jnp.float32)


def _tc_fin_body(deg_ref, acc_ref, y_ref, b_ref, out_ref):
    dinv = _dinv_of(deg_ref)
    out_ref[...] = dinv * (acc_ref[0] + acc_ref[1] + y_ref[...]) + b_ref[...]


_DEG_SPEC = pl.BlockSpec((NC, _R, D), lambda i: (0, i, 0))
_ACC_SPEC = pl.BlockSpec((NC, _R, D), lambda i: (0, i, 0))
_ROW_SPEC = pl.BlockSpec((_R, D), lambda i: (i, 0))
_W_SPEC = pl.BlockSpec((D, D), lambda i: (0, 0))
_B_SPEC = pl.BlockSpec((1, D), lambda i: (0, 0))
_OUT_TYPE = jax.ShapeDtypeStruct((N_PAD, D), jnp.float32)
_GRID = (N_PAD // _R,)


def _tc_pre(deg16, x_pad, W):
    return pl.pallas_call(
        _tc_pre_body, grid=_GRID,
        in_specs=[_DEG_SPEC, _ROW_SPEC, _W_SPEC],
        out_specs=_ROW_SPEC, out_shape=_OUT_TYPE,
    )(deg16, x_pad, W)


def _tc_mid(deg16, acc, y, b_row, W):
    return pl.pallas_call(
        _tc_mid_body, grid=_GRID,
        in_specs=[_DEG_SPEC, _ACC_SPEC, _ROW_SPEC, _B_SPEC, _W_SPEC],
        out_specs=_ROW_SPEC, out_shape=_OUT_TYPE,
    )(deg16, acc, y, b_row, W)


def _tc_fin(deg16, acc, y, b_row):
    return pl.pallas_call(
        _tc_fin_body, grid=_GRID,
        in_specs=[_DEG_SPEC, _ACC_SPEC, _ROW_SPEC, _B_SPEC],
        out_specs=_ROW_SPEC, out_shape=_OUT_TYPE,
    )(deg16, acc, y, b_row)


def kernel(edge_index, emb, W1, b1, W2, b2):
    src = edge_index[0]
    dst = edge_index[1]
    pad = jnp.full((E_PAD - E,), N, jnp.int32)
    srcp = jnp.concatenate([src, pad]).reshape(NW, NCH, CHUNK)
    dstp = jnp.concatenate([dst, pad]).reshape(NW, NCH, CHUNK)
    emb_pad = jnp.pad(emb, ((0, N_PAD - N), (0, 0)))
    b1r = b1.reshape(1, D)
    b2r = b2.reshape(1, D)

    zrows = jnp.zeros((CHUNK, D), jnp.float32)
    orows = jnp.ones((CHUNK, D), jnp.float32)

    deg16 = _sc_degree(dstp, zrows, orows)
    y1 = _tc_pre(deg16, emb_pad, W1)
    acc1 = _sc_edge_pass(y1, srcp, dstp, zrows)
    y2 = _tc_mid(deg16, acc1, y1, b1r, W2)
    acc2 = _sc_edge_pass(y2, srcp, dstp, zrows)
    out_pad = _tc_fin(deg16, acc2, y2, b2r)
    return out_pad[:N]

# --- scband reference (transcript-rebuilt; emitter-appended) ---
"""Pipeline reference for scband-gcn-10660108828810 (READ-ONLY COPY).

The authoritative reference and input builder live on the scoring server;
editing this copy changes nothing except your own understanding.
"""

import jax, jax.numpy as jnp
import numpy as np

NUM_NODES = 10000
HIDDEN_DIM = 128
NUM_EDGES = 320000


def setup_inputs(seed: int = 0) -> dict:
    key = jax.random.key(seed)
    k1, k2, k3, k4, k5, k6 = jax.random.split(key, 6)
    edge_index = jax.random.randint(k1, (2, NUM_EDGES), 0, NUM_NODES, dtype=jnp.int64 if jax.config.jax_enable_x64 else jnp.int32).astype(jnp.int32)
    emb = jax.random.normal(k2, (NUM_NODES, HIDDEN_DIM), dtype=jnp.float32)
    s = 1.0 / np.sqrt(HIDDEN_DIM)
    W1 = jax.random.uniform(k3, (HIDDEN_DIM, HIDDEN_DIM), minval=-s, maxval=s, dtype=jnp.float32)
    b1 = jax.random.uniform(k4, (HIDDEN_DIM,), minval=-s, maxval=s, dtype=jnp.float32)
    W2 = jax.random.uniform(k5, (HIDDEN_DIM, HIDDEN_DIM), minval=-s, maxval=s, dtype=jnp.float32)
    b2 = jax.random.uniform(k6, (HIDDEN_DIM,), minval=-s, maxval=s, dtype=jnp.float32)
    return {"edge_index": edge_index, "emb": emb, "W1": W1, "b1": b1, "W2": W2, "b2": b2}


def _gcn_conv(x, src, dst, W, b, n):
    # add self-loops
    loop = jnp.arange(n, dtype=src.dtype)
    src_f = jnp.concatenate([src, loop])
    dst_f = jnp.concatenate([dst, loop])
    deg = jax.ops.segment_sum(jnp.ones_like(dst_f, dtype=x.dtype), dst_f, num_segments=n)
    dinv = jnp.where(deg > 0, 1.0 / jnp.sqrt(deg), 0.0)
    norm = dinv[src_f] * dinv[dst_f]
    h = x @ W
    msg = h[src_f] * norm[:, None]
    out = jax.ops.segment_sum(msg, dst_f, num_segments=n)
    return out + b


def reference(edge_index, emb, W1, b1, W2, b2):
    src = edge_index[0]
    dst = edge_index[1]
    n = emb.shape[0]
    x = emb
    x = _gcn_conv(x, src, dst, W1, b1, n)
    x = jax.nn.relu(x)
    x = _gcn_conv(x, src, dst, W2, b2, n)
    return x

if __name__ == "__main__":
    import jax
    _d = setup_inputs()
    print(jax.jit(kernel)(*tuple(_d.values())))

</pallas_src>

<mosaic_0001>
#map = affine_map<(d0, d1) -> (0, 0, 0)>
#map1 = affine_map<(d0, d1) -> (0, 0)>
module attributes {stable_mosaic.version = 14 : i64} {
  func.func @_sc_degree(%arg0: i32, %arg1: i32, %arg2: memref<32x79x128xi32, #tpu.memory_space<hbm>>, %arg3: memref<128x128xf32, #tpu.memory_space<hbm>>, %arg4: memref<128x128xf32, #tpu.memory_space<hbm>>, %arg5: memref<2x10240x128xf32, #tpu.memory_space<hbm>>, %arg6: memref<79x128xi32, #tpu.memory_space<vmem>>, %arg7: memref<128x128xf32, #tpu.memory_space<vmem>>, %arg8: memref<10240x128xf32, #tpu.memory_space<vmem_shared>>) attributes {dimension_semantics = [#tpu.dimension_semantics<core_parallel>, #tpu.dimension_semantics<subcore_parallel>], iteration_bounds = array<i64: 2, 16>, scalar_prefetch = 0 : i64, scratch_operands = 3 : i64, tpu.core_type = #tpu.core_type<sc_vector_subcore>, window_params = [{transform_indices = #map}, {transform_indices = #map1}, {transform_indices = #map1}, {transform_indices = #map}]} {
    %mul3A = arith.constant 16 : i32
    %mul3A_0 = arith.muli %arg0, %mul3A : i32
    %add3A = arith.addi %mul3A_0, %arg1 : i32
    "tpu.region"() ({
      %run_scoped3A = tpu.sem_alloc : memref<!tpu.dma_semaphore, #tpu.memory_space<semaphore_mem>>
      %dma_start3A = arith.constant 0 : i32
      %dma_start3A_19 = arith.constant 0 : i32
      %dma_start3A_20 = tpu.memref_slice %arg2[%add3A, %dma_start3A, %dma_start3A_19] : memref<32x79x128xi32, #tpu.memory_space<hbm>> -> memref<1x79x128xi32, #tpu.memory_space<hbm>>
      %dma_start3A_21 = tpu.memref_squeeze %dma_start3A_20 : memref<1x79x128xi32, #tpu.memory_space<hbm>> -> memref<79x128xi32, #tpu.memory_space<hbm>>
      %dma_start3A_22 = arith.constant 0 : i32
      %dma_start3A_23 = arith.constant 0 : i32
      %dma_start3A_24 = tpu.memref_slice %arg2[%add3A, %dma_start3A_22, %dma_start3A_23] : memref<32x79x128xi32, #tpu.memory_space<hbm>> -> memref<1x79x128xi32, #tpu.memory_space<hbm>>
      %dma_start3A_25 = tpu.memref_squeeze %dma_start3A_24 : memref<1x79x128xi32, #tpu.memory_space<hbm>> -> memref<79x128xi32, #tpu.memory_space<hbm>>
      tpu.enqueue_dma source(%dma_start3A_25 : memref<79x128xi32, #tpu.memory_space<hbm>>) target(%arg6 : memref<79x128xi32, #tpu.memory_space<vmem>>) target_semaphore(%run_scoped3A : memref<!tpu.dma_semaphore, #tpu.memory_space<semaphore_mem>>)
      %dma_wait3A = arith.constant 0 : i32
      %dma_wait3A_26 = arith.constant 0 : i32
      %dma_wait3A_27 = tpu.memref_slice %arg2[%add3A, %dma_wait3A, %dma_wait3A_26] : memref<32x79x128xi32, #tpu.memory_space<hbm>> -> memref<1x79x128xi32, #tpu.memory_space<hbm>>
      %dma_wait3A_28 = tpu.memref_squeeze %dma_wait3A_27 : memref<1x79x128xi32, #tpu.memory_space<hbm>> -> memref<79x128xi32, #tpu.memory_space<hbm>>
      %dma_wait3A_29 = arith.constant 0 : i32
      %dma_wait3A_30 = arith.constant 0 : i32
      %dma_wait3A_31 = tpu.memref_slice %arg2[%add3A, %dma_wait3A_29, %dma_wait3A_30] : memref<32x79x128xi32, #tpu.memory_space<hbm>> -> memref<1x79x128xi32, #tpu.memory_space<hbm>>
      %dma_wait3A_32 = tpu.memref_squeeze %dma_wait3A_31 : memref<1x79x128xi32, #tpu.memory_space<hbm>> -> memref<79x128xi32, #tpu.memory_space<hbm>>
      tpu.wait_dma2 semaphore(%run_scoped3A : memref<!tpu.dma_semaphore, #tpu.memory_space<semaphore_mem>>) src(%dma_wait3A_32 : memref<79x128xi32, #tpu.memory_space<hbm>>) dst(%arg6 : memref<79x128xi32, #tpu.memory_space<vmem>>)
      tpu.yield
    }) : () -> ()
    "tpu.region"() ({
      %run_scoped3A = tpu.sem_alloc : memref<!tpu.dma_semaphore, #tpu.memory_space<semaphore_mem>>
      tpu.enqueue_dma source(%arg3 : memref<128x128xf32, #tpu.memory_space<hbm>>) target(%arg7 : memref<128x128xf32, #tpu.memory_space<vmem>>) target_semaphore(%run_scoped3A : memref<!tpu.dma_semaphore, #tpu.memory_space<semaphore_mem>>)
      tpu.wait_dma2 semaphore(%run_scoped3A : memref<!tpu.dma_semaphore, #tpu.memory_space<semaphore_mem>>) src(%arg3 : memref<128x128xf32, #tpu.memory_space<hbm>>) dst(%arg7 : memref<128x128xf32, #tpu.memory_space<vmem>>)
      tpu.yield
    }) : () -> ()
    %scan3A = arith.constant 0 : i32
    %scan3A_1 = arith.constant 0 : i32
    %scan3A_2 = arith.constant 5 : i32
    %scan3A_3 = arith.addi %scan3A_1, %scan3A_2 : i32
    %scan3A_4 = arith.constant 1 : i32
    %scan3A_5 = scf.for %scan3A_19 = %scan3A_1 to %scan3A_3 step %scan3A_4 iter_args(%scan3A_20 = %scan3A) -> (i32)  : i32 {
      %mul3A_21 = arith.constant 640 : i32
      %mul3A_22 = arith.muli %arg1, %mul3A_21 : i32
      %mul3A_23 = arith.constant 128 : i32
      %mul3A_24 = arith.muli %scan3A_19, %mul3A_23 : i32
      %add3A_25 = arith.addi %mul3A_22, %mul3A_24 : i32
      "tpu.region"() ({
        %run_scoped3A = tpu.sem_alloc : memref<!tpu.dma_semaphore, #tpu.memory_space<semaphore_mem>>
        %dma_start3A = arith.constant 0 : i32
        %dma_start3A_27 = tpu.memref_slice %arg8[%add3A_25, %dma_start3A] : memref<10240x128xf32, #tpu.memory_space<vmem_shared>> -> memref<128x128xf32, #tpu.memory_space<vmem_shared>>
        %dma_start3A_28 = arith.constant 0 : i32
        %dma_start3A_29 = tpu.memref_slice %arg8[%add3A_25, %dma_start3A_28] : memref<10240x128xf32, #tpu.memory_space<vmem_shared>> -> memref<128x128xf32, #tpu.memory_space<vmem_shared>>
        tpu.enqueue_dma source(%arg7 : memref<128x128xf32, #tpu.memory_space<vmem>>) target(%dma_start3A_29 : memref<128x128xf32, #tpu.memory_space<vmem_shared>>) target_semaphore(%run_scoped3A : memref<!tpu.dma_semaphore, #tpu.memory_space<semaphore_mem>>)
        %dma_wait3A = arith.constant 0 : i32
        %dma_wait3A_30 = tpu.memref_slice %arg8[%add3A_25, %dma_wait3A] : memref<10240x128xf32, #tpu.memory_space<vmem_shared>> -> memref<128x128xf32, #tpu.memory_space<vmem_shared>>
        %dma_wait3A_31 = arith.constant 0 : i32
        %dma_wait3A_32 = tpu.memref_slice %arg8[%add3A_25, %dma_wait3A_31] : memref<10240x128xf32, #tpu.memory_space<vmem_shared>> -> memref<128x128xf32, #tpu.memory_space<vmem_shared>>
        tpu.wait_dma2 semaphore(%run_scoped3A : memref<!tpu.dma_semaphore, #tpu.memory_space<semaphore_mem>>) src(%arg7 : memref<128x128xf32, #tpu.memory_space<vmem>>) dst(%dma_wait3A_32 : memref<128x128xf32, #tpu.memory_space<vmem_shared>>)
        tpu.yield
      }) : () -> ()
      %scan3A_26 = arith.constant 0 : i32
      scf.yield %scan3A_26 : i32
    }
    %scan3A_6 = arith.constant 5 : i32
    "tpu.region"() ({
      %run_scoped3A = tpu.sem_alloc : memref<!tpu.dma_semaphore, #tpu.memory_space<semaphore_mem>>
      tpu.enqueue_dma source(%arg4 : memref<128x128xf32, #tpu.memory_space<hbm>>) target(%arg7 : memref<128x128xf32, #tpu.memory_space<vmem>>) target_semaphore(%run_scoped3A : memref<!tpu.dma_semaphore, #tpu.memory_space<semaphore_mem>>)
      tpu.wait_dma2 semaphore(%run_scoped3A : memref<!tpu.dma_semaphore, #tpu.memory_space<semaphore_mem>>) src(%arg4 : memref<128x128xf32, #tpu.memory_space<hbm>>) dst(%arg7 : memref<128x128xf32, #tpu.memory_space<vmem>>)
      tpu.yield
    }) : () -> ()
    %barrier3A = arith.constant 0 : index
    tpu.barrier barrier_id(%barrier3A)
    %scan3A_7 = arith.constant 0 : i32
    %scan3A_8 = arith.constant 0 : i32
    %scan3A_9 = arith.constant 79 : i32
    %scan3A_10 = arith.addi %scan3A_8, %scan3A_9 : i32
    %scan3A_11 = arith.constant 1 : i32
    %scan3A_12 = scf.for %scan3A_19 = %scan3A_8 to %scan3A_10 step %scan3A_11 iter_args(%scan3A_20 = %scan3A_7) -> (i32)  : i32 {
      "tpu.region"() ({
        %run_scoped3A = tpu.sem_alloc : memref<!tpu.dma_semaphore, #tpu.memory_space<semaphore_mem>>
        %dma_start3A = arith.constant 0 : i32
        %dma_start3A_22 = tpu.memref_slice %arg6[%scan3A_19, %dma_start3A] : memref<79x128xi32, #tpu.memory_space<vmem>> -> memref<1x128xi32, #tpu.memory_space<vmem>>
        %dma_start3A_23 = tpu.memref_squeeze %dma_start3A_22 : memref<1x128xi32, #tpu.memory_space<vmem>> -> memref<128xi32, #tpu.memory_space<vmem>>
        %dma_start3A_24 = arith.constant 0 : i32
        %dma_start3A_25 = arith.constant 0 : i32
        %dma_start3A_26 = tpu.memref_slice %arg8[%dma_start3A_24, %dma_start3A_25] : memref<10240x128xf32, #tpu.memory_space<vmem_shared>> -> memref<10240x128xf32, #tpu.memory_space<vmem_shared>>
        tpu.enqueue_indirect_dma source(%arg7 : memref<128x128xf32, #tpu.memory_space<vmem>>) target(%dma_start3A_26 : memref<10240x128xf32, #tpu.memory_space<vmem_shared>>) offsets(%dma_start3A_23 : memref<128xi32, #tpu.memory_space<vmem>>) semaphore(%run_scoped3A : memref<!tpu.dma_semaphore, #tpu.memory_space<semaphore_mem>>) {add = true}
        %dma_wait3A = arith.constant 0 : i32
        %dma_wait3A_27 = tpu.memref_slice %arg6[%scan3A_19, %dma_wait3A] : memref<79x128xi32, #tpu.memory_space<vmem>> -> memref<1x128xi32, #tpu.memory_space<vmem>>
        %dma_wait3A_28 = tpu.memref_squeeze %dma_wait3A_27 : memref<1x128xi32, #tpu.memory_space<vmem>> -> memref<128xi32, #tpu.memory_space<vmem>>
        %dma_wait3A_29 = arith.constant 0 : i32
        %dma_wait3A_30 = arith.constant 0 : i32
        %dma_wait3A_31 = tpu.memref_slice %arg8[%dma_wait3A_29, %dma_wait3A_30] : memref<10240x128xf32, #tpu.memory_space<vmem_shared>> -> memref<10240x128xf32, #tpu.memory_space<vmem_shared>>
        tpu.wait_indirect_dma semaphore(%run_scoped3A : memref<!tpu.dma_semaphore, #tpu.memory_space<semaphore_mem>>) src(%arg7 : memref<128x128xf32, #tpu.memory_space<vmem>>) dst(%dma_wait3A_31 : memref<10240x128xf32, #tpu.memory_space<vmem_shared>>)
        tpu.yield
      }) : () -> ()
      %scan3A_21 = arith.constant 0 : i32
      scf.yield %scan3A_21 : i32
    }
    %scan3A_13 = arith.constant 79 : i32
    %barrier3A_14 = arith.constant 0 : index
    tpu.barrier barrier_id(%barrier3A_14)
    %mul3A_15 = arith.constant 640 : i32
    %mul3A_16 = arith.muli %arg1, %mul3A_15 : i32
    %mul3A_17 = arith.constant 640 : i32
    %mul3A_18 = arith.muli %arg1, %mul3A_17 : i32
    "tpu.region"() ({
      %run_scoped3A = tpu.sem_alloc : memref<!tpu.dma_semaphore, #tpu.memory_space<semaphore_mem>>
      %dma_start3A = arith.constant 0 : i32
      %dma_start3A_19 = tpu.memref_slice %arg5[%arg0, %mul3A_18, %dma_start3A] : memref<2x10240x128xf32, #tpu.memory_space<hbm>> -> memref<1x640x128xf32, #tpu.memory_space<hbm>>
      %dma_start3A_20 = tpu.memref_squeeze %dma_start3A_19 : memref<1x640x128xf32, #tpu.memory_space<hbm>> -> memref<640x128xf32, #tpu.memory_space<hbm>>
      %dma_start3A_21 = arith.constant 0 : i32
      %dma_start3A_22 = tpu.memref_slice %arg8[%mul3A_16, %dma_start3A_21] : memref<10240x128xf32, #tpu.memory_space<vmem_shared>> -> memref<640x128xf32, #tpu.memory_space<vmem_shared>>
      tpu.enqueue_dma source(%dma_start3A_22 : memref<640x128xf32, #tpu.memory_space<vmem_shared>>) target(%dma_start3A_20 : memref<640x128xf32, #tpu.memory_space<hbm>>) target_semaphore(%run_scoped3A : memref<!tpu.dma_semaphore, #tpu.memory_space<semaphore_mem>>)
      %dma_wait3A = arith.constant 0 : i32
      %dma_wait3A_23 = tpu.memref_slice %arg5[%arg0, %mul3A_18, %dma_wait3A] : memref<2x10240x128xf32, #tpu.memory_space<hbm>> -> memref<1x640x128xf32, #tpu.memory_space<hbm>>
      %dma_wait3A_24 = tpu.memref_squeeze %dma_wait3A_23 : memref<1x640x128xf32, #tpu.memory_space<hbm>> -> memref<640x128xf32, #tpu.memory_space<hbm>>
      %dma_wait3A_25 = arith.constant 0 : i32
      %dma_wait3A_26 = tpu.memref_slice %arg8[%mul3A_16, %dma_wait3A_25] : memref<10240x128xf32, #tpu.memory_space<vmem_shared>> -> memref<640x128xf32, #tpu.memory_space<vmem_shared>>
      tpu.wait_dma2 semaphore(%run_scoped3A : memref<!tpu.dma_semaphore, #tpu.memory_space<semaphore_mem>>) src(%dma_wait3A_26 : memref<640x128xf32, #tpu.memory_space<vmem_shared>>) dst(%dma_wait3A_24 : memref<640x128xf32, #tpu.memory_space<hbm>>)
      tpu.yield
    }) : () -> ()
    return
  }
}

#map = affine_map<(d0, d1) -> (0, 0)>
#map1 = affine_map<(d0, d1) -> (0, 0, 0)>
module attributes {stable_mosaic.version = 14 : i64} {
  func.func @_sc_edge_pass(%arg0: i32, %arg1: i32, %arg2: memref<10240x128xf32, #tpu.memory_space<hbm>>, %arg3: memref<32x79x128xi32, #tpu.memory_space<hbm>>, %arg4: memref<32x79x128xi32, #tpu.memory_space<hbm>>, %arg5: memref<128x128xf32, #tpu.memory_space<hbm>>, %arg6: memref<2x10240x128xf32, #tpu.memory_space<hbm>>, %arg7: memref<79x128xi32, #tpu.memory_space<vmem>>, %arg8: memref<79x128xi32, #tpu.memory_space<vmem>>, %arg9: memref<128x128xf32, #tpu.memory_space<vmem>>, %arg10: memref<10240x128xf32, #tpu.memory_space<vmem_shared>>, %arg11: memref<!tpu.dma_semaphore, #tpu.memory_space<semaphore_mem>>) attributes {dimension_semantics = [#tpu.dimension_semantics<core_parallel>, #tpu.dimension_semantics<subcore_parallel>], iteration_bounds = array<i64: 2, 16>, scalar_prefetch = 0 : i64, scratch_operands = 5 : i64, tpu.core_type = #tpu.core_type<sc_vector_subcore>, window_params = [{transform_indices = #map}, {transform_indices = #map1}, {transform_indices = #map1}, {transform_indices = #map}, {transform_indices = #map1}]} {
    %mul3A = arith.constant 16 : i32
    %mul3A_0 = arith.muli %arg0, %mul3A : i32
    %add3A = arith.addi %mul3A_0, %arg1 : i32
    "tpu.region"() ({
      %run_scoped3A = tpu.sem_alloc : memref<!tpu.dma_semaphore, #tpu.memory_space<semaphore_mem>>
      %dma_start3A = arith.constant 0 : i32
      %dma_start3A_19 = arith.constant 0 : i32
      %dma_start3A_20 = tpu.memref_slice %arg3[%add3A, %dma_start3A, %dma_start3A_19] : memref<32x79x128xi32, #tpu.memory_space<hbm>> -> memref<1x79x128xi32, #tpu.memory_space<hbm>>
      %dma_start3A_21 = tpu.memref_squeeze %dma_start3A_20 : memref<1x79x128xi32, #tpu.memory_space<hbm>> -> memref<79x128xi32, #tpu.memory_space<hbm>>
      %dma_start3A_22 = arith.constant 0 : i32
      %dma_start3A_23 = arith.constant 0 : i32
      %dma_start3A_24 = tpu.memref_slice %arg3[%add3A, %dma_start3A_22, %dma_start3A_23] : memref<32x79x128xi32, #tpu.memory_space<hbm>> -> memref<1x79x128xi32, #tpu.memory_space<hbm>>
      %dma_start3A_25 = tpu.memref_squeeze %dma_start3A_24 : memref<1x79x128xi32, #tpu.memory_space<hbm>> -> memref<79x128xi32, #tpu.memory_space<hbm>>
      tpu.enqueue_dma source(%dma_start3A_25 : memref<79x128xi32, #tpu.memory_space<hbm>>) target(%arg7 : memref<79x128xi32, #tpu.memory_space<vmem>>) target_semaphore(%run_scoped3A : memref<!tpu.dma_semaphore, #tpu.memory_space<semaphore_mem>>)
      %dma_wait3A = arith.constant 0 : i32
      %dma_wait3A_26 = arith.constant 0 : i32
      %dma_wait3A_27 = tpu.memref_slice %arg3[%add3A, %dma_wait3A, %dma_wait3A_26] : memref<32x79x128xi32, #tpu.memory_space<hbm>> -> memref<1x79x128xi32, #tpu.memory_space<hbm>>
      %dma_wait3A_28 = tpu.memref_squeeze %dma_wait3A_27 : memref<1x79x128xi32, #tpu.memory_space<hbm>> -> memref<79x128xi32, #tpu.memory_space<hbm>>
      %dma_wait3A_29 = arith.constant 0 : i32
      %dma_wait3A_30 = arith.constant 0 : i32
      %dma_wait3A_31 = tpu.memref_slice %arg3[%add3A, %dma_wait3A_29, %dma_wait3A_30] : memref<32x79x128xi32, #tpu.memory_space<hbm>> -> memref<1x79x128xi32, #tpu.memory_space<hbm>>
      %dma_wait3A_32 = tpu.memref_squeeze %dma_wait3A_31 : memref<1x79x128xi32, #tpu.memory_space<hbm>> -> memref<79x128xi32, #tpu.memory_space<hbm>>
      tpu.wait_dma2 semaphore(%run_scoped3A : memref<!tpu.dma_semaphore, #tpu.memory_space<semaphore_mem>>) src(%dma_wait3A_32 : memref<79x128xi32, #tpu.memory_space<hbm>>) dst(%arg7 : memref<79x128xi32, #tpu.memory_space<vmem>>)
      tpu.yield
    }) : () -> ()
    "tpu.region"() ({
      %run_scoped3A = tpu.sem_alloc : memref<!tpu.dma_semaphore, #tpu.memory_space<semaphore_mem>>
      %dma_start3A = arith.constant 0 : i32
      %dma_start3A_19 = arith.constant 0 : i32
      %dma_start3A_20 = tpu.memref_slice %arg4[%add3A, %dma_start3A, %dma_start3A_19] : memref<32x79x128xi32, #tpu.memory_space<hbm>> -> memref<1x79x128xi32, #tpu.memory_space<hbm>>
      %dma_start3A_21 = tpu.memref_squeeze %dma_start3A_20 : memref<1x79x128xi32, #tpu.memory_space<hbm>> -> memref<79x128xi32, #tpu.memory_space<hbm>>
      %dma_start3A_22 = arith.constant 0 : i32
      %dma_start3A_23 = arith.constant 0 : i32
      %dma_start3A_24 = tpu.memref_slice %arg4[%add3A, %dma_start3A_22, %dma_start3A_23] : memref<32x79x128xi32, #tpu.memory_space<hbm>> -> memref<1x79x128xi32, #tpu.memory_space<hbm>>
      %dma_start3A_25 = tpu.memref_squeeze %dma_start3A_24 : memref<1x79x128xi32, #tpu.memory_space<hbm>> -> memref<79x128xi32, #tpu.memory_space<hbm>>
      tpu.enqueue_dma source(%dma_start3A_25 : memref<79x128xi32, #tpu.memory_space<hbm>>) target(%arg8 : memref<79x128xi32, #tpu.memory_space<vmem>>) target_semaphore(%run_scoped3A : memref<!tpu.dma_semaphore, #tpu.memory_space<semaphore_mem>>)
      %dma_wait3A = arith.constant 0 : i32
      %dma_wait3A_26 = arith.constant 0 : i32
      %dma_wait3A_27 = tpu.memref_slice %arg4[%add3A, %dma_wait3A, %dma_wait3A_26] : memref<32x79x128xi32, #tpu.memory_space<hbm>> -> memref<1x79x128xi32, #tpu.memory_space<hbm>>
      %dma_wait3A_28 = tpu.memref_squeeze %dma_wait3A_27 : memref<1x79x128xi32, #tpu.memory_space<hbm>> -> memref<79x128xi32, #tpu.memory_space<hbm>>
      %dma_wait3A_29 = arith.constant 0 : i32
      %dma_wait3A_30 = arith.constant 0 : i32
      %dma_wait3A_31 = tpu.memref_slice %arg4[%add3A, %dma_wait3A_29, %dma_wait3A_30] : memref<32x79x128xi32, #tpu.memory_space<hbm>> -> memref<1x79x128xi32, #tpu.memory_space<hbm>>
      %dma_wait3A_32 = tpu.memref_squeeze %dma_wait3A_31 : memref<1x79x128xi32, #tpu.memory_space<hbm>> -> memref<79x128xi32, #tpu.memory_space<hbm>>
      tpu.wait_dma2 semaphore(%run_scoped3A : memref<!tpu.dma_semaphore, #tpu.memory_space<semaphore_mem>>) src(%dma_wait3A_32 : memref<79x128xi32, #tpu.memory_space<hbm>>) dst(%arg8 : memref<79x128xi32, #tpu.memory_space<vmem>>)
      tpu.yield
    }) : () -> ()
    "tpu.region"() ({
      %run_scoped3A = tpu.sem_alloc : memref<!tpu.dma_semaphore, #tpu.memory_space<semaphore_mem>>
      tpu.enqueue_dma source(%arg5 : memref<128x128xf32, #tpu.memory_space<hbm>>) target(%arg9 : memref<128x128xf32, #tpu.memory_space<vmem>>) target_semaphore(%run_scoped3A : memref<!tpu.dma_semaphore, #tpu.memory_space<semaphore_mem>>)
      tpu.wait_dma2 semaphore(%run_scoped3A : memref<!tpu.dma_semaphore, #tpu.memory_space<semaphore_mem>>) src(%arg5 : memref<128x128xf32, #tpu.memory_space<hbm>>) dst(%arg9 : memref<128x128xf32, #tpu.memory_space<vmem>>)
      tpu.yield
    }) : () -> ()
    %scan3A = arith.constant 0 : i32
    %scan3A_1 = arith.constant 0 : i32
    %scan3A_2 = arith.constant 5 : i32
    %scan3A_3 = arith.addi %scan3A_1, %scan3A_2 : i32
    %scan3A_4 = arith.constant 1 : i32
    %scan3A_5 = scf.for %scan3A_19 = %scan3A_1 to %scan3A_3 step %scan3A_4 iter_args(%scan3A_20 = %scan3A) -> (i32)  : i32 {
      %mul3A_21 = arith.constant 640 : i32
      %mul3A_22 = arith.muli %arg1, %mul3A_21 : i32
      %mul3A_23 = arith.constant 128 : i32
      %mul3A_24 = arith.muli %scan3A_19, %mul3A_23 : i32
      %add3A_25 = arith.addi %mul3A_22, %mul3A_24 : i32
      "tpu.region"() ({
        %run_scoped3A = tpu.sem_alloc : memref<!tpu.dma_semaphore, #tpu.memory_space<semaphore_mem>>
        %dma_start3A = arith.constant 0 : i32
        %dma_start3A_27 = tpu.memref_slice %arg10[%add3A_25, %dma_start3A] : memref<10240x128xf32, #tpu.memory_space<vmem_shared>> -> memref<128x128xf32, #tpu.memory_space<vmem_shared>>
        %dma_start3A_28 = arith.constant 0 : i32
        %dma_start3A_29 = tpu.memref_slice %arg10[%add3A_25, %dma_start3A_28] : memref<10240x128xf32, #tpu.memory_space<vmem_shared>> -> memref<128x128xf32, #tpu.memory_space<vmem_shared>>
        tpu.enqueue_dma source(%arg9 : memref<128x128xf32, #tpu.memory_space<vmem>>) target(%dma_start3A_29 : memref<128x128xf32, #tpu.memory_space<vmem_shared>>) target_semaphore(%run_scoped3A : memref<!tpu.dma_semaphore, #tpu.memory_space<semaphore_mem>>)
        %dma_wait3A = arith.constant 0 : i32
        %dma_wait3A_30 = tpu.memref_slice %arg10[%add3A_25, %dma_wait3A] : memref<10240x128xf32, #tpu.memory_space<vmem_shared>> -> memref<128x128xf32, #tpu.memory_space<vmem_shared>>
        %dma_wait3A_31 = arith.constant 0 : i32
        %dma_wait3A_32 = tpu.memref_slice %arg10[%add3A_25, %dma_wait3A_31] : memref<10240x128xf32, #tpu.memory_space<vmem_shared>> -> memref<128x128xf32, #tpu.memory_space<vmem_shared>>
        tpu.wait_dma2 semaphore(%run_scoped3A : memref<!tpu.dma_semaphore, #tpu.memory_space<semaphore_mem>>) src(%arg9 : memref<128x128xf32, #tpu.memory_space<vmem>>) dst(%dma_wait3A_32 : memref<128x128xf32, #tpu.memory_space<vmem_shared>>)
        tpu.yield
      }) : () -> ()
      %scan3A_26 = arith.constant 0 : i32
      scf.yield %scan3A_26 : i32
    }
    %scan3A_6 = arith.constant 5 : i32
    %barrier3A = arith.constant 0 : index
    tpu.barrier barrier_id(%barrier3A)
    %scan3A_7 = arith.constant 0 : i32
    %scan3A_8 = arith.constant 0 : i32
    %scan3A_9 = arith.constant 79 : i32
    %scan3A_10 = arith.addi %scan3A_8, %scan3A_9 : i32
    %scan3A_11 = arith.constant 1 : i32
    %scan3A_12 = scf.for %scan3A_19 = %scan3A_8 to %scan3A_10 step %scan3A_11 iter_args(%scan3A_20 = %scan3A_7) -> (i32)  : i32 {
      %dma_start3A = arith.constant 0 : i32
      %dma_start3A_21 = tpu.memref_slice %arg7[%scan3A_19, %dma_start3A] : memref<79x128xi32, #tpu.memory_space<vmem>> -> memref<1x128xi32, #tpu.memory_space<vmem>>
      %dma_start3A_22 = tpu.memref_squeeze %dma_start3A_21 : memref<1x128xi32, #tpu.memory_space<vmem>> -> memref<128xi32, #tpu.memory_space<vmem>>
      %dma_start3A_23 = arith.constant 0 : i32
      %dma_start3A_24 = arith.constant 0 : i32
      %dma_start3A_25 = tpu.memref_slice %arg2[%dma_start3A_23, %dma_start3A_24] : memref<10240x128xf32, #tpu.memory_space<hbm>> -> memref<10240x128xf32, #tpu.memory_space<hbm>>
      tpu.enqueue_indirect_dma source(%dma_start3A_25 : memref<10240x128xf32, #tpu.memory_space<hbm>>) target(%arg9 : memref<128x128xf32, #tpu.memory_space<vmem>>) offsets(%dma_start3A_22 : memref<128xi32, #tpu.memory_space<vmem>>) semaphore(%arg11 : memref<!tpu.dma_semaphore, #tpu.memory_space<semaphore_mem>>)
      %dma_wait3A = arith.constant 0 : i32
      %dma_wait3A_26 = tpu.memref_slice %arg7[%scan3A_19, %dma_wait3A] : memref<79x128xi32, #tpu.memory_space<vmem>> -> memref<1x128xi32, #tpu.memory_space<vmem>>
      %dma_wait3A_27 = tpu.memref_squeeze %dma_wait3A_26 : memref<1x128xi32, #tpu.memory_space<vmem>> -> memref<128xi32, #tpu.memory_space<vmem>>
      %dma_wait3A_28 = arith.constant 0 : i32
      %dma_wait3A_29 = arith.constant 0 : i32
      %dma_wait3A_30 = tpu.memref_slice %arg2[%dma_wait3A_28, %dma_wait3A_29] : memref<10240x128xf32, #tpu.memory_space<hbm>> -> memref<10240x128xf32, #tpu.memory_space<hbm>>
      tpu.wait_indirect_dma semaphore(%arg11 : memref<!tpu.dma_semaphore, #tpu.memory_space<semaphore_mem>>) src(%dma_wait3A_30 : memref<10240x128xf32, #tpu.memory_space<hbm>>) dst(%arg9 : memref<128x128xf32, #tpu.memory_space<vmem>>)
      "tpu.region"() ({
        %run_scoped3A = tpu.sem_alloc : memref<!tpu.dma_semaphore, #tpu.memory_space<semaphore_mem>>
        %dma_start3A_32 = arith.constant 0 : i32
        %dma_start3A_33 = tpu.memref_slice %arg8[%scan3A_19, %dma_start3A_32] : memref<79x128xi32, #tpu.memory_space<vmem>> -> memref<1x128xi32, #tpu.memory_space<vmem>>
        %dma_start3A_34 = tpu.memref_squeeze %dma_start3A_33 : memref<1x128xi32, #tpu.memory_space<vmem>> -> memref<128xi32, #tpu.memory_space<vmem>>
        %dma_start3A_35 = arith.constant 0 : i32
        %dma_start3A_36 = arith.constant 0 : i32
        %dma_start3A_37 = tpu.memref_slice %arg10[%dma_start3A_35, %dma_start3A_36] : memref<10240x128xf32, #tpu.memory_space<vmem_shared>> -> memref<10240x128xf32, #tpu.memory_space<vmem_shared>>
        tpu.enqueue_indirect_dma source(%arg9 : memref<128x128xf32, #tpu.memory_space<vmem>>) target(%dma_start3A_37 : memref<10240x128xf32, #tpu.memory_space<vmem_shared>>) offsets(%dma_start3A_34 : memref<128xi32, #tpu.memory_space<vmem>>) semaphore(%run_scoped3A : memref<!tpu.dma_semaphore, #tpu.memory_space<semaphore_mem>>) {add = true}
        %dma_wait3A_38 = arith.constant 0 : i32
        %dma_wait3A_39 = tpu.memref_slice %arg8[%scan3A_19, %dma_wait3A_38] : memref<79x128xi32, #tpu.memory_space<vmem>> -> memref<1x128xi32, #tpu.memory_space<vmem>>
        %dma_wait3A_40 = tpu.memref_squeeze %dma_wait3A_39 : memref<1x128xi32, #tpu.memory_space<vmem>> -> memref<128xi32, #tpu.memory_space<vmem>>
        %dma_wait3A_41 = arith.constant 0 : i32
        %dma_wait3A_42 = arith.constant 0 : i32
        %dma_wait3A_43 = tpu.memref_slice %arg10[%dma_wait3A_41, %dma_wait3A_42] : memref<10240x128xf32, #tpu.memory_space<vmem_shared>> -> memref<10240x128xf32, #tpu.memory_space<vmem_shared>>
        tpu.wait_indirect_dma semaphore(%run_scoped3A : memref<!tpu.dma_semaphore, #tpu.memory_space<semaphore_mem>>) src(%arg9 : memref<128x128xf32, #tpu.memory_space<vmem>>) dst(%dma_wait3A_43 : memref<10240x128xf32, #tpu.memory_space<vmem_shared>>)
        tpu.yield
      }) : () -> ()
      %scan3A_31 = arith.constant 0 : i32
      scf.yield %scan3A_31 : i32
    }
    %scan3A_13 = arith.constant 79 : i32
    %barrier3A_14 = arith.constant 0 : index
    tpu.barrier barrier_id(%barrier3A_14)
    %mul3A_15 = arith.constant 640 : i32
    %mul3A_16 = arith.muli %arg1, %mul3A_15 : i32
    %mul3A_17 = arith.constant 640 : i32
    %mul3A_18 = arith.muli %arg1, %mul3A_17 : i32
    "tpu.region"() ({
      %run_scoped3A = tpu.sem_alloc : memref<!tpu.dma_semaphore, #tpu.memory_space<semaphore_mem>>
      %dma_start3A = arith.constant 0 : i32
      %dma_start3A_19 = tpu.memref_slice %arg6[%arg0, %mul3A_18, %dma_start3A] : memref<2x10240x128xf32, #tpu.memory_space<hbm>> -> memref<1x640x128xf32, #tpu.memory_space<hbm>>
      %dma_start3A_20 = tpu.memref_squeeze %dma_start3A_19 : memref<1x640x128xf32, #tpu.memory_space<hbm>> -> memref<640x128xf32, #tpu.memory_space<hbm>>
      %dma_start3A_21 = arith.constant 0 : i32
      %dma_start3A_22 = tpu.memref_slice %arg10[%mul3A_16, %dma_start3A_21] : memref<10240x128xf32, #tpu.memory_space<vmem_shared>> -> memref<640x128xf32, #tpu.memory_space<vmem_shared>>
      tpu.enqueue_dma source(%dma_start3A_22 : memref<640x128xf32, #tpu.memory_space<vmem_shared>>) target(%dma_start3A_20 : memref<640x128xf32, #tpu.memory_space<hbm>>) target_semaphore(%run_scoped3A : memref<!tpu.dma_semaphore, #tpu.memory_space<semaphore_mem>>)
      %dma_wait3A = arith.constant 0 : i32
      %dma_wait3A_23 = tpu.memref_slice %arg6[%arg0, %mul3A_18, %dma_wait3A] : memref<2x10240x128xf32, #tpu.memory_space<hbm>> -> memref<1x640x128xf32, #tpu.memory_space<hbm>>
      %dma_wait3A_24 = tpu.memref_squeeze %dma_wait3A_23 : memref<1x640x128xf32, #tpu.memory_space<hbm>> -> memref<640x128xf32, #tpu.memory_space<hbm>>
      %dma_wait3A_25 = arith.constant 0 : i32
      %dma_wait3A_26 = tpu.memref_slice %arg10[%mul3A_16, %dma_wait3A_25] : memref<10240x128xf32, #tpu.memory_space<vmem_shared>> -> memref<640x128xf32, #tpu.memory_space<vmem_shared>>
      tpu.wait_dma2 semaphore(%run_scoped3A : memref<!tpu.dma_semaphore, #tpu.memory_space<semaphore_mem>>) src(%dma_wait3A_26 : memref<640x128xf32, #tpu.memory_space<vmem_shared>>) dst(%dma_wait3A_24 : memref<640x128xf32, #tpu.memory_space<hbm>>)
      tpu.yield
    }) : () -> ()
    return
  }
}

#map = affine_map<(d0, d1) -> (0, 0)>
#map1 = affine_map<(d0, d1) -> (0, 0, 0)>
module attributes {stable_mosaic.version = 14 : i64} {
  func.func @_sc_edge_pass(%arg0: i32, %arg1: i32, %arg2: memref<10240x128xf32, #tpu.memory_space<hbm>>, %arg3: memref<32x79x128xi32, #tpu.memory_space<hbm>>, %arg4: memref<32x79x128xi32, #tpu.memory_space<hbm>>, %arg5: memref<128x128xf32, #tpu.memory_space<hbm>>, %arg6: memref<2x10240x128xf32, #tpu.memory_space<hbm>>, %arg7: memref<79x128xi32, #tpu.memory_space<vmem>>, %arg8: memref<79x128xi32, #tpu.memory_space<vmem>>, %arg9: memref<128x128xf32, #tpu.memory_space<vmem>>, %arg10: memref<10240x128xf32, #tpu.memory_space<vmem_shared>>, %arg11: memref<!tpu.dma_semaphore, #tpu.memory_space<semaphore_mem>>) attributes {dimension_semantics = [#tpu.dimension_semantics<core_parallel>, #tpu.dimension_semantics<subcore_parallel>], iteration_bounds = array<i64: 2, 16>, scalar_prefetch = 0 : i64, scratch_operands = 5 : i64, tpu.core_type = #tpu.core_type<sc_vector_subcore>, window_params = [{transform_indices = #map}, {transform_indices = #map1}, {transform_indices = #map1}, {transform_indices = #map}, {transform_indices = #map1}]} {
    %mul3A = arith.constant 16 : i32
    %mul3A_0 = arith.muli %arg0, %mul3A : i32
    %add3A = arith.addi %mul3A_0, %arg1 : i32
    "tpu.region"() ({
      %run_scoped3A = tpu.sem_alloc : memref<!tpu.dma_semaphore, #tpu.memory_space<semaphore_mem>>
      %dma_start3A = arith.constant 0 : i32
      %dma_start3A_19 = arith.constant 0 : i32
      %dma_start3A_20 = tpu.memref_slice %arg3[%add3A, %dma_start3A, %dma_start3A_19] : memref<32x79x128xi32, #tpu.memory_space<hbm>> -> memref<1x79x128xi32, #tpu.memory_space<hbm>>
      %dma_start3A_21 = tpu.memref_squeeze %dma_start3A_20 : memref<1x79x128xi32, #tpu.memory_space<hbm>> -> memref<79x128xi32, #tpu.memory_space<hbm>>
      %dma_start3A_22 = arith.constant 0 : i32
      %dma_start3A_23 = arith.constant 0 : i32
      %dma_start3A_24 = tpu.memref_slice %arg3[%add3A, %dma_start3A_22, %dma_start3A_23] : memref<32x79x128xi32, #tpu.memory_space<hbm>> -> memref<1x79x128xi32, #tpu.memory_space<hbm>>
      %dma_start3A_25 = tpu.memref_squeeze %dma_start3A_24 : memref<1x79x128xi32, #tpu.memory_space<hbm>> -> memref<79x128xi32, #tpu.memory_space<hbm>>
      tpu.enqueue_dma source(%dma_start3A_25 : memref<79x128xi32, #tpu.memory_space<hbm>>) target(%arg7 : memref<79x128xi32, #tpu.memory_space<vmem>>) target_semaphore(%run_scoped3A : memref<!tpu.dma_semaphore, #tpu.memory_space<semaphore_mem>>)
      %dma_wait3A = arith.constant 0 : i32
      %dma_wait3A_26 = arith.constant 0 : i32
      %dma_wait3A_27 = tpu.memref_slice %arg3[%add3A, %dma_wait3A, %dma_wait3A_26] : memref<32x79x128xi32, #tpu.memory_space<hbm>> -> memref<1x79x128xi32, #tpu.memory_space<hbm>>
      %dma_wait3A_28 = tpu.memref_squeeze %dma_wait3A_27 : memref<1x79x128xi32, #tpu.memory_space<hbm>> -> memref<79x128xi32, #tpu.memory_space<hbm>>
      %dma_wait3A_29 = arith.constant 0 : i32
      %dma_wait3A_30 = arith.constant 0 : i32
      %dma_wait3A_31 = tpu.memref_slice %arg3[%add3A, %dma_wait3A_29, %dma_wait3A_30] : memref<32x79x128xi32, #tpu.memory_space<hbm>> -> memref<1x79x128xi32, #tpu.memory_space<hbm>>
      %dma_wait3A_32 = tpu.memref_squeeze %dma_wait3A_31 : memref<1x79x128xi32, #tpu.memory_space<hbm>> -> memref<79x128xi32, #tpu.memory_space<hbm>>
      tpu.wait_dma2 semaphore(%run_scoped3A : memref<!tpu.dma_semaphore, #tpu.memory_space<semaphore_mem>>) src(%dma_wait3A_32 : memref<79x128xi32, #tpu.memory_space<hbm>>) dst(%arg7 : memref<79x128xi32, #tpu.memory_space<vmem>>)
      tpu.yield
    }) : () -> ()
    "tpu.region"() ({
      %run_scoped3A = tpu.sem_alloc : memref<!tpu.dma_semaphore, #tpu.memory_space<semaphore_mem>>
      %dma_start3A = arith.constant 0 : i32
      %dma_start3A_19 = arith.constant 0 : i32
      %dma_start3A_20 = tpu.memref_slice %arg4[%add3A, %dma_start3A, %dma_start3A_19] : memref<32x79x128xi32, #tpu.memory_space<hbm>> -> memref<1x79x128xi32, #tpu.memory_space<hbm>>
      %dma_start3A_21 = tpu.memref_squeeze %dma_start3A_20 : memref<1x79x128xi32, #tpu.memory_space<hbm>> -> memref<79x128xi32, #tpu.memory_space<hbm>>
      %dma_start3A_22 = arith.constant 0 : i32
      %dma_start3A_23 = arith.constant 0 : i32
      %dma_start3A_24 = tpu.memref_slice %arg4[%add3A, %dma_start3A_22, %dma_start3A_23] : memref<32x79x128xi32, #tpu.memory_space<hbm>> -> memref<1x79x128xi32, #tpu.memory_space<hbm>>
      %dma_start3A_25 = tpu.memref_squeeze %dma_start3A_24 : memref<1x79x128xi32, #tpu.memory_space<hbm>> -> memref<79x128xi32, #tpu.memory_space<hbm>>
      tpu.enqueue_dma source(%dma_start3A_25 : memref<79x128xi32, #tpu.memory_space<hbm>>) target(%arg8 : memref<79x128xi32, #tpu.memory_space<vmem>>) target_semaphore(%run_scoped3A : memref<!tpu.dma_semaphore, #tpu.memory_space<semaphore_mem>>)
      %dma_wait3A = arith.constant 0 : i32
      %dma_wait3A_26 = arith.constant 0 : i32
      %dma_wait3A_27 = tpu.memref_slice %arg4[%add3A, %dma_wait3A, %dma_wait3A_26] : memref<32x79x128xi32, #tpu.memory_space<hbm>> -> memref<1x79x128xi32, #tpu.memory_space<hbm>>
      %dma_wait3A_28 = tpu.memref_squeeze %dma_wait3A_27 : memref<1x79x128xi32, #tpu.memory_space<hbm>> -> memref<79x128xi32, #tpu.memory_space<hbm>>
      %dma_wait3A_29 = arith.constant 0 : i32
      %dma_wait3A_30 = arith.constant 0 : i32
      %dma_wait3A_31 = tpu.memref_slice %arg4[%add3A, %dma_wait3A_29, %dma_wait3A_30] : memref<32x79x128xi32, #tpu.memory_space<hbm>> -> memref<1x79x128xi32, #tpu.memory_space<hbm>>
      %dma_wait3A_32 = tpu.memref_squeeze %dma_wait3A_31 : memref<1x79x128xi32, #tpu.memory_space<hbm>> -> memref<79x128xi32, #tpu.memory_space<hbm>>
      tpu.wait_dma2 semaphore(%run_scoped3A : memref<!tpu.dma_semaphore, #tpu.memory_space<semaphore_mem>>) src(%dma_wait3A_32 : memref<79x128xi32, #tpu.memory_space<hbm>>) dst(%arg8 : memref<79x128xi32, #tpu.memory_space<vmem>>)
      tpu.yield
    }) : () -> ()
    "tpu.region"() ({
      %run_scoped3A = tpu.sem_alloc : memref<!tpu.dma_semaphore, #tpu.memory_space<semaphore_mem>>
      tpu.enqueue_dma source(%arg5 : memref<128x128xf32, #tpu.memory_space<hbm>>) target(%arg9 : memref<128x128xf32, #tpu.memory_space<vmem>>) target_semaphore(%run_scoped3A : memref<!tpu.dma_semaphore, #tpu.memory_space<semaphore_mem>>)
      tpu.wait_dma2 semaphore(%run_scoped3A : memref<!tpu.dma_semaphore, #tpu.memory_space<semaphore_mem>>) src(%arg5 : memref<128x128xf32, #tpu.memory_space<hbm>>) dst(%arg9 : memref<128x128xf32, #tpu.memory_space<vmem>>)
      tpu.yield
    }) : () -> ()
    %scan3A = arith.constant 0 : i32
    %scan3A_1 = arith.constant 0 : i32
    %scan3A_2 = arith.constant 5 : i32
    %scan3A_3 = arith.addi %scan3A_1, %scan3A_2 : i32
    %scan3A_4 = arith.constant 1 : i32
    %scan3A_5 = scf.for %scan3A_19 = %scan3A_1 to %scan3A_3 step %scan3A_4 iter_args(%scan3A_20 = %scan3A) -> (i32)  : i32 {
      %mul3A_21 = arith.constant 640 : i32
      %mul3A_22 = arith.muli %arg1, %mul3A_21 : i32
      %mul3A_23 = arith.constant 128 : i32
      %mul3A_24 = arith.muli %scan3A_19, %mul3A_23 : i32
      %add3A_25 = arith.addi %mul3A_22, %mul3A_24 : i32
      "tpu.region"() ({
        %run_scoped3A = tpu.sem_alloc : memref<!tpu.dma_semaphore, #tpu.memory_space<semaphore_mem>>
        %dma_start3A = arith.constant 0 : i32
        %dma_start3A_27 = tpu.memref_slice %arg10[%add3A_25, %dma_start3A] : memref<10240x128xf32, #tpu.memory_space<vmem_shared>> -> memref<128x128xf32, #tpu.memory_space<vmem_shared>>
        %dma_start3A_28 = arith.constant 0 : i32
        %dma_start3A_29 = tpu.memref_slice %arg10[%add3A_25, %dma_start3A_28] : memref<10240x128xf32, #tpu.memory_space<vmem_shared>> -> memref<128x128xf32, #tpu.memory_space<vmem_shared>>
        tpu.enqueue_dma source(%arg9 : memref<128x128xf32, #tpu.memory_space<vmem>>) target(%dma_start3A_29 : memref<128x128xf32, #tpu.memory_space<vmem_shared>>) target_semaphore(%run_scoped3A : memref<!tpu.dma_semaphore, #tpu.memory_space<semaphore_mem>>)
        %dma_wait3A = arith.constant 0 : i32
        %dma_wait3A_30 = tpu.memref_slice %arg10[%add3A_25, %dma_wait3A] : memref<10240x128xf32, #tpu.memory_space<vmem_shared>> -> memref<128x128xf32, #tpu.memory_space<vmem_shared>>
        %dma_wait3A_31 = arith.constant 0 : i32
        %dma_wait3A_32 = tpu.memref_slice %arg10[%add3A_25, %dma_wait3A_31] : memref<10240x128xf32, #tpu.memory_space<vmem_shared>> -> memref<128x128xf32, #tpu.memory_space<vmem_shared>>
        tpu.wait_dma2 semaphore(%run_scoped3A : memref<!tpu.dma_semaphore, #tpu.memory_space<semaphore_mem>>) src(%arg9 : memref<128x128xf32, #tpu.memory_space<vmem>>) dst(%dma_wait3A_32 : memref<128x128xf32, #tpu.memory_space<vmem_shared>>)
        tpu.yield
      }) : () -> ()
      %scan3A_26 = arith.constant 0 : i32
      scf.yield %scan3A_26 : i32
    }
    %scan3A_6 = arith.constant 5 : i32
    %barrier3A = arith.constant 0 : index
    tpu.barrier barrier_id(%barrier3A)
    %scan3A_7 = arith.constant 0 : i32
    %scan3A_8 = arith.constant 0 : i32
    %scan3A_9 = arith.constant 79 : i32
    %scan3A_10 = arith.addi %scan3A_8, %scan3A_9 : i32
    %scan3A_11 = arith.constant 1 : i32
    %scan3A_12 = scf.for %scan3A_19 = %scan3A_8 to %scan3A_10 step %scan3A_11 iter_args(%scan3A_20 = %scan3A_7) -> (i32)  : i32 {
      %dma_start3A = arith.constant 0 : i32
      %dma_start3A_21 = tpu.memref_slice %arg7[%scan3A_19, %dma_start3A] : memref<79x128xi32, #tpu.memory_space<vmem>> -> memref<1x128xi32, #tpu.memory_space<vmem>>
      %dma_start3A_22 = tpu.memref_squeeze %dma_start3A_21 : memref<1x128xi32, #tpu.memory_space<vmem>> -> memref<128xi32, #tpu.memory_space<vmem>>
      %dma_start3A_23 = arith.constant 0 : i32
      %dma_start3A_24 = arith.constant 0 : i32
      %dma_start3A_25 = tpu.memref_slice %arg2[%dma_start3A_23, %dma_start3A_24] : memref<10240x128xf32, #tpu.memory_space<hbm>> -> memref<10240x128xf32, #tpu.memory_space<hbm>>
      tpu.enqueue_indirect_dma source(%dma_start3A_25 : memref<10240x128xf32, #tpu.memory_space<hbm>>) target(%arg9 : memref<128x128xf32, #tpu.memory_space<vmem>>) offsets(%dma_start3A_22 : memref<128xi32, #tpu.memory_space<vmem>>) semaphore(%arg11 : memref<!tpu.dma_semaphore, #tpu.memory_space<semaphore_mem>>)
      %dma_wait3A = arith.constant 0 : i32
      %dma_wait3A_26 = tpu.memref_slice %arg7[%scan3A_19, %dma_wait3A] : memref<79x128xi32, #tpu.memory_space<vmem>> -> memref<1x128xi32, #tpu.memory_space<vmem>>
      %dma_wait3A_27 = tpu.memref_squeeze %dma_wait3A_26 : memref<1x128xi32, #tpu.memory_space<vmem>> -> memref<128xi32, #tpu.memory_space<vmem>>
      %dma_wait3A_28 = arith.constant 0 : i32
      %dma_wait3A_29 = arith.constant 0 : i32
      %dma_wait3A_30 = tpu.memref_slice %arg2[%dma_wait3A_28, %dma_wait3A_29] : memref<10240x128xf32, #tpu.memory_space<hbm>> -> memref<10240x128xf32, #tpu.memory_space<hbm>>
      tpu.wait_indirect_dma semaphore(%arg11 : memref<!tpu.dma_semaphore, #tpu.memory_space<semaphore_mem>>) src(%dma_wait3A_30 : memref<10240x128xf32, #tpu.memory_space<hbm>>) dst(%arg9 : memref<128x128xf32, #tpu.memory_space<vmem>>)
      "tpu.region"() ({
        %run_scoped3A = tpu.sem_alloc : memref<!tpu.dma_semaphore, #tpu.memory_space<semaphore_mem>>
        %dma_start3A_32 = arith.constant 0 : i32
        %dma_start3A_33 = tpu.memref_slice %arg8[%scan3A_19, %dma_start3A_32] : memref<79x128xi32, #tpu.memory_space<vmem>> -> memref<1x128xi32, #tpu.memory_space<vmem>>
        %dma_start3A_34 = tpu.memref_squeeze %dma_start3A_33 : memref<1x128xi32, #tpu.memory_space<vmem>> -> memref<128xi32, #tpu.memory_space<vmem>>
        %dma_start3A_35 = arith.constant 0 : i32
        %dma_start3A_36 = arith.constant 0 : i32
        %dma_start3A_37 = tpu.memref_slice %arg10[%dma_start3A_35, %dma_start3A_36] : memref<10240x128xf32, #tpu.memory_space<vmem_shared>> -> memref<10240x128xf32, #tpu.memory_space<vmem_shared>>
        tpu.enqueue_indirect_dma source(%arg9 : memref<128x128xf32, #tpu.memory_space<vmem>>) target(%dma_start3A_37 : memref<10240x128xf32, #tpu.memory_space<vmem_shared>>) offsets(%dma_start3A_34 : memref<128xi32, #tpu.memory_space<vmem>>) semaphore(%run_scoped3A : memref<!tpu.dma_semaphore, #tpu.memory_space<semaphore_mem>>) {add = true}
        %dma_wait3A_38 = arith.constant 0 : i32
        %dma_wait3A_39 = tpu.memref_slice %arg8[%scan3A_19, %dma_wait3A_38] : memref<79x128xi32, #tpu.memory_space<vmem>> -> memref<1x128xi32, #tpu.memory_space<vmem>>
        %dma_wait3A_40 = tpu.memref_squeeze %dma_wait3A_39 : memref<1x128xi32, #tpu.memory_space<vmem>> -> memref<128xi32, #tpu.memory_space<vmem>>
        %dma_wait3A_41 = arith.constant 0 : i32
        %dma_wait3A_42 = arith.constant 0 : i32
        %dma_wait3A_43 = tpu.memref_slice %arg10[%dma_wait3A_41, %dma_wait3A_42] : memref<10240x128xf32, #tpu.memory_space<vmem_shared>> -> memref<10240x128xf32, #tpu.memory_space<vmem_shared>>
        tpu.wait_indirect_dma semaphore(%run_scoped3A : memref<!tpu.dma_semaphore, #tpu.memory_space<semaphore_mem>>) src(%arg9 : memref<128x128xf32, #tpu.memory_space<vmem>>) dst(%dma_wait3A_43 : memref<10240x128xf32, #tpu.memory_space<vmem_shared>>)
        tpu.yield
      }) : () -> ()
      %scan3A_31 = arith.constant 0 : i32
      scf.yield %scan3A_31 : i32
    }
    %scan3A_13 = arith.constant 79 : i32
    %barrier3A_14 = arith.constant 0 : index
    tpu.barrier barrier_id(%barrier3A_14)
    %mul3A_15 = arith.constant 640 : i32
    %mul3A_16 = arith.muli %arg1, %mul3A_15 : i32
    %mul3A_17 = arith.constant 640 : i32
    %mul3A_18 = arith.muli %arg1, %mul3A_17 : i32
    "tpu.region"() ({
      %run_scoped3A = tpu.sem_alloc : memref<!tpu.dma_semaphore, #tpu.memory_space<semaphore_mem>>
      %dma_start3A = arith.constant 0 : i32
      %dma_start3A_19 = tpu.memref_slice %arg6[%arg0, %mul3A_18, %dma_start3A] : memref<2x10240x128xf32, #tpu.memory_space<hbm>> -> memref<1x640x128xf32, #tpu.memory_space<hbm>>
      %dma_start3A_20 = tpu.memref_squeeze %dma_start3A_19 : memref<1x640x128xf32, #tpu.memory_space<hbm>> -> memref<640x128xf32, #tpu.memory_space<hbm>>
      %dma_start3A_21 = arith.constant 0 : i32
      %dma_start3A_22 = tpu.memref_slice %arg10[%mul3A_16, %dma_start3A_21] : memref<10240x128xf32, #tpu.memory_space<vmem_shared>> -> memref<640x128xf32, #tpu.memory_space<vmem_shared>>
      tpu.enqueue_dma source(%dma_start3A_22 : memref<640x128xf32, #tpu.memory_space<vmem_shared>>) target(%dma_start3A_20 : memref<640x128xf32, #tpu.memory_space<hbm>>) target_semaphore(%run_scoped3A : memref<!tpu.dma_semaphore, #tpu.memory_space<semaphore_mem>>)
      %dma_wait3A = arith.constant 0 : i32
      %dma_wait3A_23 = tpu.memref_slice %arg6[%arg0, %mul3A_18, %dma_wait3A] : memref<2x10240x128xf32, #tpu.memory_space<hbm>> -> memref<1x640x128xf32, #tpu.memory_space<hbm>>
      %dma_wait3A_24 = tpu.memref_squeeze %dma_wait3A_23 : memref<1x640x128xf32, #tpu.memory_space<hbm>> -> memref<640x128xf32, #tpu.memory_space<hbm>>
      %dma_wait3A_25 = arith.constant 0 : i32
      %dma_wait3A_26 = tpu.memref_slice %arg10[%mul3A_16, %dma_wait3A_25] : memref<10240x128xf32, #tpu.memory_space<vmem_shared>> -> memref<640x128xf32, #tpu.memory_space<vmem_shared>>
      tpu.wait_dma2 semaphore(%run_scoped3A : memref<!tpu.dma_semaphore, #tpu.memory_space<semaphore_mem>>) src(%dma_wait3A_26 : memref<640x128xf32, #tpu.memory_space<vmem_shared>>) dst(%dma_wait3A_24 : memref<640x128xf32, #tpu.memory_space<hbm>>)
      tpu.yield
    }) : () -> ()
    return
  }
}

module attributes {stable_mosaic.version = 14 : i64} {
  func.func @_tc_pre_body(%arg0: i32, %arg1: memref<2x1024x128xf32, #tpu.memory_space<vmem>>, %arg2: memref<1024x128xf32, #tpu.memory_space<vmem>>, %arg3: memref<128x128xf32, #tpu.memory_space<vmem>>, %arg4: memref<1024x128xf32, #tpu.memory_space<vmem>>) attributes {dimension_semantics = [#tpu.dimension_semantics<arbitrary>], iteration_bounds = array<i64: 10>, scalar_prefetch = 0 : i64, scratch_operands = 0 : i64, tpu.core_type = #tpu.core_type<tc>, window_params = [{transform_indices = @transform_0, window_bounds = array<i64: 2, 1024, 128>}, {transform_indices = @transform_1, window_bounds = array<i64: 1024, 128>}, {pipeline_mode = #tpu.pipeline_mode<synchronous>, transform_indices = @transform_2, window_bounds = array<i64: 128, 128>}, {transform_indices = @transform_3, window_bounds = array<i64: 1024, 128>}]} {
    %get3A = arith.constant 0 : index
    %get3A_0 = arith.constant 0 : index
    %get3A_1 = arith.constant 0 : index
    %get3A_2 = vector.load %arg1[%get3A, %get3A_0, %get3A_1] : memref<2x1024x128xf32, #tpu.memory_space<vmem>>, vector<2x1024x128xf32>
    %slice3A = vector.extract_strided_slice %get3A_2 {offsets = [0, 0, 0], sizes = [1, 1024, 1], strides = [1, 1, 1]} : vector<2x1024x128xf32> to vector<1x1024x1xf32>
    %squeeze3A = vector.shape_cast %slice3A : vector<1x1024x1xf32> to vector<1024xf32>
    %add3A = arith.constant 1.000000e+00 : f32
    %add3A_3 = vector.broadcast %add3A : f32 to vector<1024xf32>
    %add3A_4 = arith.addf %add3A_3, %squeeze3A : vector<1024xf32>
    %slice3A_5 = vector.extract_strided_slice %get3A_2 {offsets = [1, 0, 0], sizes = [1, 1024, 1], strides = [1, 1, 1]} : vector<2x1024x128xf32> to vector<1x1024x1xf32>
    %squeeze3A_6 = vector.shape_cast %slice3A_5 : vector<1x1024x1xf32> to vector<1024xf32>
    %add3A_7 = arith.addf %add3A_4, %squeeze3A_6 : vector<1024xf32>
    %rsqrt3A = math.rsqrt %add3A_7 : vector<1024xf32>
    %broadcast_in_dim3A = vector.shape_cast %rsqrt3A : vector<1024xf32> to vector<1024x1xf32>
    %get3A_8 = arith.constant 0 : index
    %get3A_9 = arith.constant 0 : index
    %get3A_10 = vector.load %arg2[%get3A_8, %get3A_9] : memref<1024x128xf32, #tpu.memory_space<vmem>>, vector<1024x128xf32>
    %get3A_11 = arith.constant 0 : index
    %get3A_12 = arith.constant 0 : index
    %get3A_13 = vector.load %arg3[%get3A_11, %get3A_12] : memref<128x128xf32, #tpu.memory_space<vmem>>, vector<128x128xf32>
    %dot_general3A = arith.constant dense<0.000000e+00> : vector<1024x128xf32>
    %dot_general3A_14 = tpu.matmul %get3A_10, %get3A_13, %dot_general3A {dimension_numbers = #tpu.dot_dimension_numbers<[1], [0], [0], [1], [0, 0, 1, 1], [], []>, transpose_lhs_hint = false} : vector<1024x128xf32>, vector<128x128xf32>, vector<1024x128xf32> -> vector<1024x128xf32>
    %mul3A = vector.broadcast %broadcast_in_dim3A : vector<1024x1xf32> to vector<1024x128xf32>
    %mul3A_15 = arith.mulf %mul3A, %dot_general3A_14 : vector<1024x128xf32>
    %swap3A = arith.constant 0 : index
    %swap3A_16 = arith.constant 0 : index
    %swap3A_17 = vector.load %arg4[%swap3A, %swap3A_16] : memref<1024x128xf32, #tpu.memory_space<vmem>>, vector<1024x128xf32>
    tpu.vector_store %arg4[%swap3A, %swap3A_16], %mul3A_15 {strides = array<i32>} : memref<1024x128xf32, #tpu.memory_space<vmem>>, vector<1024x128xf32>,
    return
  }
  func.func @transform_0(%arg0: i32) -> (i32, i32, i32) {
    %c0_i32 = arith.constant 0 : i32
    %c0_i32_0 = arith.constant 0 : i32
    %c0_i32_1 = arith.constant 0 : i32
    return %c0_i32, %arg0, %c0_i32_0 : i32, i32, i32
  }
  func.func @transform_1(%arg0: i32) -> (i32, i32) {
    %c0_i32 = arith.constant 0 : i32
    %c0_i32_0 = arith.constant 0 : i32
    return %arg0, %c0_i32 : i32, i32
  }
  func.func @transform_2(%arg0: i32) -> (i32, i32) {
    %c0_i32 = arith.constant 0 : i32
    %c0_i32_0 = arith.constant 0 : i32
    %c0_i32_1 = arith.constant 0 : i32
    return %c0_i32, %c0_i32_0 : i32, i32
  }
  func.func @transform_3(%arg0: i32) -> (i32, i32) {
    %c0_i32 = arith.constant 0 : i32
    %c0_i32_0 = arith.constant 0 : i32
    return %arg0, %c0_i32 : i32, i32
  }
}

module attributes {stable_mosaic.version = 14 : i64} {
  func.func @_tc_mid_body(%arg0: i32, %arg1: memref<2x1024x128xf32, #tpu.memory_space<vmem>>, %arg2: memref<2x1024x128xf32, #tpu.memory_space<vmem>>, %arg3: memref<1024x128xf32, #tpu.memory_space<vmem>>, %arg4: memref<1x128xf32, #tpu.memory_space<vmem>>, %arg5: memref<128x128xf32, #tpu.memory_space<vmem>>, %arg6: memref<1024x128xf32, #tpu.memory_space<vmem>>) attributes {dimension_semantics = [#tpu.dimension_semantics<arbitrary>], iteration_bounds = array<i64: 10>, scalar_prefetch = 0 : i64, scratch_operands = 0 : i64, tpu.core_type = #tpu.core_type<tc>, window_params = [{transform_indices = @transform_0, window_bounds = array<i64: 2, 1024, 128>}, {transform_indices = @transform_1, window_bounds = array<i64: 2, 1024, 128>}, {transform_indices = @transform_2, window_bounds = array<i64: 1024, 128>}, {pipeline_mode = #tpu.pipeline_mode<synchronous>, transform_indices = @transform_3, window_bounds = array<i64: 1, 128>}, {pipeline_mode = #tpu.pipeline_mode<synchronous>, transform_indices = @transform_4, window_bounds = array<i64: 128, 128>}, {transform_indices = @transform_5, window_bounds = array<i64: 1024, 128>}]} {
    %get3A = arith.constant 0 : index
    %get3A_0 = arith.constant 0 : index
    %get3A_1 = arith.constant 0 : index
    %get3A_2 = vector.load %arg1[%get3A, %get3A_0, %get3A_1] : memref<2x1024x128xf32, #tpu.memory_space<vmem>>, vector<2x1024x128xf32>
    %slice3A = vector.extract_strided_slice %get3A_2 {offsets = [0, 0, 0], sizes = [1, 1024, 1], strides = [1, 1, 1]} : vector<2x1024x128xf32> to vector<1x1024x1xf32>
    %squeeze3A = vector.shape_cast %slice3A : vector<1x1024x1xf32> to vector<1024xf32>
    %add3A = arith.constant 1.000000e+00 : f32
    %add3A_3 = vector.broadcast %add3A : f32 to vector<1024xf32>
    %add3A_4 = arith.addf %add3A_3, %squeeze3A : vector<1024xf32>
    %slice3A_5 = vector.extract_strided_slice %get3A_2 {offsets = [1, 0, 0], sizes = [1, 1024, 1], strides = [1, 1, 1]} : vector<2x1024x128xf32> to vector<1x1024x1xf32>
    %squeeze3A_6 = vector.shape_cast %slice3A_5 : vector<1x1024x1xf32> to vector<1024xf32>
    %add3A_7 = arith.addf %add3A_4, %squeeze3A_6 : vector<1024xf32>
    %rsqrt3A = math.rsqrt %add3A_7 : vector<1024xf32>
    %broadcast_in_dim3A = vector.shape_cast %rsqrt3A : vector<1024xf32> to vector<1024x1xf32>
    %get3A_8 = arith.constant 0 : index
    %get3A_9 = arith.constant 0 : index
    %get3A_10 = arith.constant 0 : index
    %get3A_11 = vector.load %arg2[%get3A_8, %get3A_9, %get3A_10] : memref<2x1024x128xf32, #tpu.memory_space<vmem>>, vector<1x1024x128xf32>
    %get3A_12 = vector.shape_cast %get3A_11 : vector<1x1024x128xf32> to vector<1024x128xf32>
    %get3A_13 = arith.constant 1 : index
    %get3A_14 = arith.constant 0 : index
    %get3A_15 = arith.constant 0 : index
    %get3A_16 = vector.load %arg2[%get3A_13, %get3A_14, %get3A_15] : memref<2x1024x128xf32, #tpu.memory_space<vmem>>, vector<1x1024x128xf32>
    %get3A_17 = vector.shape_cast %get3A_16 : vector<1x1024x128xf32> to vector<1024x128xf32>
    %add3A_18 = arith.addf %get3A_12, %get3A_17 : vector<1024x128xf32>
    %get3A_19 = arith.constant 0 : index
    %get3A_20 = arith.constant 0 : index
    %get3A_21 = vector.load %arg3[%get3A_19, %get3A_20] : memref<1024x128xf32, #tpu.memory_space<vmem>>, vector<1024x128xf32>
    %add3A_22 = arith.addf %add3A_18, %get3A_21 : vector<1024x128xf32>
    %mul3A = vector.broadcast %broadcast_in_dim3A : vector<1024x1xf32> to vector<1024x128xf32>
    %mul3A_23 = arith.mulf %mul3A, %add3A_22 : vector<1024x128xf32>
    %get3A_24 = arith.constant 0 : index
    %get3A_25 = arith.constant 0 : index
    %get3A_26 = vector.load %arg4[%get3A_24, %get3A_25] : memref<1x128xf32, #tpu.memory_space<vmem>>, vector<1x128xf32>
    %add3A_27 = vector.broadcast %get3A_26 : vector<1x128xf32> to vector<1024x128xf32>
    %add3A_28 = arith.addf %mul3A_23, %add3A_27 : vector<1024x128xf32>
    %max3A = arith.constant 0.000000e+00 : f32
    %max3A_29 = vector.broadcast %max3A : f32 to vector<1024x128xf32>
    %max3A_30 = arith.maximumf %add3A_28, %max3A_29 : vector<1024x128xf32>
    %get3A_31 = arith.constant 0 : index
    %get3A_32 = arith.constant 0 : index
    %get3A_33 = vector.load %arg5[%get3A_31, %get3A_32] : memref<128x128xf32, #tpu.memory_space<vmem>>, vector<128x128xf32>
    %dot_general3A = arith.constant dense<0.000000e+00> : vector<1024x128xf32>
    %dot_general3A_34 = tpu.matmul %max3A_30, %get3A_33, %dot_general3A {dimension_numbers = #tpu.dot_dimension_numbers<[1], [0], [0], [1], [0, 0, 1, 1], [], []>, transpose_lhs_hint = false} : vector<1024x128xf32>, vector<128x128xf32>, vector<1024x128xf32> -> vector<1024x128xf32>
    %mul3A_35 = vector.broadcast %broadcast_in_dim3A : vector<1024x1xf32> to vector<1024x128xf32>
    %mul3A_36 = arith.mulf %mul3A_35, %dot_general3A_34 : vector<1024x128xf32>
    %swap3A = arith.constant 0 : index
    %swap3A_37 = arith.constant 0 : index
    %swap3A_38 = vector.load %arg6[%swap3A, %swap3A_37] : memref<1024x128xf32, #tpu.memory_space<vmem>>, vector<1024x128xf32>
    tpu.vector_store %arg6[%swap3A, %swap3A_37], %mul3A_36 {strides = array<i32>} : memref<1024x128xf32, #tpu.memory_space<vmem>>, vector<1024x128xf32>,
    return
  }
  func.func @transform_0(%arg0: i32) -> (i32, i32, i32) {
    %c0_i32 = arith.constant 0 : i32
    %c0_i32_0 = arith.constant 0 : i32
    %c0_i32_1 = arith.constant 0 : i32
    return %c0_i32, %arg0, %c0_i32_0 : i32, i32, i32
  }
  func.func @transform_1(%arg0: i32) -> (i32, i32, i32) {
    %c0_i32 = arith.constant 0 : i32
    %c0_i32_0 = arith.constant 0 : i32
    %c0_i32_1 = arith.constant 0 : i32
    return %c0_i32, %arg0, %c0_i32_0 : i32, i32, i32
  }
  func.func @transform_2(%arg0: i32) -> (i32, i32) {
    %c0_i32 = arith.constant 0 : i32
    %c0_i32_0 = arith.constant 0 : i32
    return %arg0, %c0_i32 : i32, i32
  }
  func.func @transform_3(%arg0: i32) -> (i32, i32) {
    %c0_i32 = arith.constant 0 : i32
    %c0_i32_0 = arith.constant 0 : i32
    %c0_i32_1 = arith.constant 0 : i32
    return %c0_i32, %c0_i32_0 : i32, i32
  }
  func.func @transform_4(%arg0: i32) -> (i32, i32) {
    %c0_i32 = arith.constant 0 : i32
    %c0_i32_0 = arith.constant 0 : i32
    %c0_i32_1 = arith.constant 0 : i32
    return %c0_i32, %c0_i32_0 : i32, i32
  }
  func.func @transform_5(%arg0: i32) -> (i32, i32) {
    %c0_i32 = arith.constant 0 : i32
    %c0_i32_0 = arith.constant 0 : i32
    return %arg0, %c0_i32 : i32, i32
  }
}

module attributes {stable_mosaic.version = 14 : i64} {
  func.func @_tc_fin_body(%arg0: i32, %arg1: memref<2x1024x128xf32, #tpu.memory_space<vmem>>, %arg2: memref<2x1024x128xf32, #tpu.memory_space<vmem>>, %arg3: memref<1024x128xf32, #tpu.memory_space<vmem>>, %arg4: memref<1x128xf32, #tpu.memory_space<vmem>>, %arg5: memref<1024x128xf32, #tpu.memory_space<vmem>>) attributes {dimension_semantics = [#tpu.dimension_semantics<arbitrary>], iteration_bounds = array<i64: 10>, scalar_prefetch = 0 : i64, scratch_operands = 0 : i64, tpu.core_type = #tpu.core_type<tc>, window_params = [{transform_indices = @transform_0, window_bounds = array<i64: 2, 1024, 128>}, {transform_indices = @transform_1, window_bounds = array<i64: 2, 1024, 128>}, {transform_indices = @transform_2, window_bounds = array<i64: 1024, 128>}, {pipeline_mode = #tpu.pipeline_mode<synchronous>, transform_indices = @transform_3, window_bounds = array<i64: 1, 128>}, {transform_indices = @transform_4, window_bounds = array<i64: 1024, 128>}]} {
    %get3A = arith.constant 0 : index
    %get3A_0 = arith.constant 0 : index
    %get3A_1 = arith.constant 0 : index
    %get3A_2 = vector.load %arg1[%get3A, %get3A_0, %get3A_1] : memref<2x1024x128xf32, #tpu.memory_space<vmem>>, vector<2x1024x128xf32>
    %slice3A = vector.extract_strided_slice %get3A_2 {offsets = [0, 0, 0], sizes = [1, 1024, 1], strides = [1, 1, 1]} : vector<2x1024x128xf32> to vector<1x1024x1xf32>
    %squeeze3A = vector.shape_cast %slice3A : vector<1x1024x1xf32> to vector<1024xf32>
    %add3A = arith.constant 1.000000e+00 : f32
    %add3A_3 = vector.broadcast %add3A : f32 to vector<1024xf32>
    %add3A_4 = arith.addf %add3A_3, %squeeze3A : vector<1024xf32>
    %slice3A_5 = vector.extract_strided_slice %get3A_2 {offsets = [1, 0, 0], sizes = [1, 1024, 1], strides = [1, 1, 1]} : vector<2x1024x128xf32> to vector<1x1024x1xf32>
    %squeeze3A_6 = vector.shape_cast %slice3A_5 : vector<1x1024x1xf32> to vector<1024xf32>
    %add3A_7 = arith.addf %add3A_4, %squeeze3A_6 : vector<1024xf32>
    %rsqrt3A = math.rsqrt %add3A_7 : vector<1024xf32>
    %broadcast_in_dim3A = vector.shape_cast %rsqrt3A : vector<1024xf32> to vector<1024x1xf32>
    %get3A_8 = arith.constant 0 : index
    %get3A_9 = arith.constant 0 : index
    %get3A_10 = arith.constant 0 : index
    %get3A_11 = vector.load %arg2[%get3A_8, %get3A_9, %get3A_10] : memref<2x1024x128xf32, #tpu.memory_space<vmem>>, vector<1x1024x128xf32>
    %get3A_12 = vector.shape_cast %get3A_11 : vector<1x1024x128xf32> to vector<1024x128xf32>
    %get3A_13 = arith.constant 1 : index
    %get3A_14 = arith.constant 0 : index
    %get3A_15 = arith.constant 0 : index
    %get3A_16 = vector.load %arg2[%get3A_13, %get3A_14, %get3A_15] : memref<2x1024x128xf32, #tpu.memory_space<vmem>>, vector<1x1024x128xf32>
    %get3A_17 = vector.shape_cast %get3A_16 : vector<1x1024x128xf32> to vector<1024x128xf32>
    %add3A_18 = arith.addf %get3A_12, %get3A_17 : vector<1024x128xf32>
    %get3A_19 = arith.constant 0 : index
    %get3A_20 = arith.constant 0 : index
    %get3A_21 = vector.load %arg3[%get3A_19, %get3A_20] : memref<1024x128xf32, #tpu.memory_space<vmem>>, vector<1024x128xf32>
    %add3A_22 = arith.addf %add3A_18, %get3A_21 : vector<1024x128xf32>
    %mul3A = vector.broadcast %broadcast_in_dim3A : vector<1024x1xf32> to vector<1024x128xf32>
    %mul3A_23 = arith.mulf %mul3A, %add3A_22 : vector<1024x128xf32>
    %get3A_24 = arith.constant 0 : index
    %get3A_25 = arith.constant 0 : index
    %get3A_26 = vector.load %arg4[%get3A_24, %get3A_25] : memref<1x128xf32, #tpu.memory_space<vmem>>, vector<1x128xf32>
    %add3A_27 = vector.broadcast %get3A_26 : vector<1x128xf32> to vector<1024x128xf32>
    %add3A_28 = arith.addf %mul3A_23, %add3A_27 : vector<1024x128xf32>
    %swap3A = arith.constant 0 : index
    %swap3A_29 = arith.constant 0 : index
    %swap3A_30 = vector.load %arg5[%swap3A, %swap3A_29] : memref<1024x128xf32, #tpu.memory_space<vmem>>, vector<1024x128xf32>
    tpu.vector_store %arg5[%swap3A, %swap3A_29], %add3A_28 {strides = array<i32>} : memref<1024x128xf32, #tpu.memory_space<vmem>>, vector<1024x128xf32>,
    return
  }
  func.func @transform_0(%arg0: i32) -> (i32, i32, i32) {
    %c0_i32 = arith.constant 0 : i32
    %c0_i32_0 = arith.constant 0 : i32
    %c0_i32_1 = arith.constant 0 : i32
    return %c0_i32, %arg0, %c0_i32_0 : i32, i32, i32
  }
  func.func @transform_1(%arg0: i32) -> (i32, i32, i32) {
    %c0_i32 = arith.constant 0 : i32
    %c0_i32_0 = arith.constant 0 : i32
    %c0_i32_1 = arith.constant 0 : i32
    return %c0_i32, %arg0, %c0_i32_0 : i32, i32, i32
  }
  func.func @transform_2(%arg0: i32) -> (i32, i32) {
    %c0_i32 = arith.constant 0 : i32
    %c0_i32_0 = arith.constant 0 : i32
    return %arg0, %c0_i32 : i32, i32
  }
  func.func @transform_3(%arg0: i32) -> (i32, i32) {
    %c0_i32 = arith.constant 0 : i32
    %c0_i32_0 = arith.constant 0 : i32
    %c0_i32_1 = arith.constant 0 : i32
    return %c0_i32, %c0_i32_0 : i32, i32
  }
  func.func @transform_4(%arg0: i32) -> (i32, i32) {
    %c0_i32 = arith.constant 0 : i32
    %c0_i32_0 = arith.constant 0 : i32
    return %arg0, %c0_i32 : i32, i32
  }
}

</mosaic_0001>

<sc_bundles>
// kernel: kernel.11.cloned.1.call-start
scs
__scs_entry_jumppad:
0x0: {  	(pc) =	sbr.rel $0x88, $3  }
0x1: {  	(tag) =	ssettag $0x0;
	lr =	simm.s32 $0x1  }
0x2: {  	[smem:$0x3F9B] =	sst lr;
	_ =	strace $0xD0000000  }
0x3: {  	_ = 	snop  }
0x4: {  	_ = 	snop  }
0x5: {  	_ = 	snop  }
0x6: {  	_ = 	snop  }
0x7: {  	_ = 	snop  }
__scs_overlays_trampoline_lowered:
0x8: {  	[smem:$0x3FAA] =	sst s0  }
0x9: {  	[smem:$0x3FAB] =	sst s1  }
0xa: {  	[smem:$0x3FAC] =	sst s2  }
0xb: {  	[smem:$0x3FAD] =	sst s3  }
0xc: {  	[smem:$0x3FAE] =	sst s4  }
0xd: {  	[smem:$0x3FAF] =	sst s5  }
0xe: {  	[smem:$0x3FB0] =	sst s6  }
0xf: {  	[smem:$0x3FB1] =	sst s7  }
0x10: {  	[smem:$0x3FB2] =	sst s8  }
0x11: {  	[smem:$0x3FB3] =	sst s9;
	s0 =	simm.s32 @!p0 $0x0  }
0x12: {  	s1 =	sld [smem:$0x3F99];
	s0 =	simm.s32 @p0 $0x1  }
0x13: {  	[smem:$0x3FB4] =	sst s0;
	s0 =	simm.s32 @!p1 $0x0  }
0x14: {  	s2 =	sld [smem:$0x3F98];
	s0 =	simm.s32 @p1 $0x1  }
0x15: {  	[smem:$0x3FB5] =	sst s0;
	s0 =	simm.s32 @!p2 $0x0  }
0x16: {  	s3 =	sld [smem:$0x3FDB];
	s0 =	simm.s32 @p2 $0x1  }
0x17: {  	s4 =	simm.s32 $0x1BF5;
	[smem:$0x3FB7] =	sst s0  }
0x18: {  	s0 =	sld [smem:$0x3F9A];
	_ =	swait.ge [sflag:s4], $0x0  }
0x19: {  	s7 =	sld [smem:$0x3F9B]  }
0x1a: {  	s8 =	sadd.s32 $0xFFFFE003, lr  }
0x1b: {  	s9 =	sadd.s32 $0xFFFFFEF7, lr;
	s5 =	simm.s32 $0xFFFFFFFF;
	p2 =	slt.u32 s8, $0xFFFFF086  }
0x1c: {  	p1 =	slt.u32 s9, $0xF7A;
	s5 =	simm.s32 @!p2 $0x0  }
0x1d: {  	s5 =	simm.s32 @p1 $0x1;
	p0 =	seq.s32 s7, s2  }
0x1e: {  	s7 =	smul.u32 @!p0 $0xF7A, s2;
	p2 =	seq.s32 @!p0 s5, $0x0  }
0x1f: {  	s9 =	smul.u32 $0xF7A, s1;
	s8 =	simm.s32 @!p0 $0x1BF5;
	p2 =	por !p2, p0  }
0x20: {  	[sflag:s8] =	ssyncset.s32 @!p0 $0xFFFFF086;
	s6 =	sadd.s32 @!p0 s3, s7;
	s7 =	simm.s32 @!p0 $0x108  }
0x21: {  	s3 =	sadd.s32 s3, s9;
	s6 =	sadd.s32 @!p0 $0x88, s6;
	s7 =	simm.s32 @p2 $0x1082  }
0x22: {  	[simem:s7], [sflag:s8] =	dma.local @!p0 [hbm:s6], $0xF7A  }
0x23: {  	s9 =	sor.u32 $0xD0000000, s2;
	s6 =	simm.s32 $0x108;
	_ =	swait.ge @!p0 [sflag:s8], $0x0  }
0x24: {  	s3 =	sadd.s32 $0x88, s3;
	s6 =	simm.s32 @!p1 $0x1082;
	[sflag:s4] =	ssyncset.s32 $0xFFFFF086  }
0x25: {  	[simem:s6], [sflag:s4] =	dma.local [hbm:s3], $0xF7A  }
0x26: {  	[smem:$0x3F9B] =	sst s1;
	(tag) =	ssettag s2;
	_ =	strace s9  }
0x27: {  	s1 =	sld [smem:$0x3FAB]  }
0x28: {  	s2 =	sld [smem:$0x3FAC]  }
0x29: {  	s4 =	sld [smem:$0x3FAE]  }
0x2a: {  	p0 =	seq.s32 s5, $0x0;
	s5 =	sld [smem:$0x3FAF]  }
0x2b: {  	s6 =	sld [smem:$0x3FB0]  }
0x2c: {  	s7 =	sld [smem:$0x3FB1]  }
0x2d: {  	s3 =	simm.s32 $0x108;
	s8 =	sld [smem:$0x3FB2]  }
0x2e: {  	s3 =	simm.s32 @!p0 $0x1082;
	s9 =	sld [smem:$0x3FB3]  }
0x2f: {  	lr =	sadd.s32 s0, s3;
	s0 =	sld [smem:$0x3FAA]  }
0x30: {  	s3 =	sld [smem:$0x3FAD]  }
0x31: {  	[smem:$0x3FB6] =	sst s10  }
0x32: {  	s10 =	sld [smem:$0x3FB4];
	_ =	sdelay $0x3  }
0x33: {  	p0 =	seq.s32 s10, $0x1;
	s10 =	sld [smem:$0x3FB6];
	_ =	sdelay $0x3  }
0x34: {  	[smem:$0x3FB6] =	sst s10  }
0x35: {  	s10 =	sld [smem:$0x3FB5];
	_ =	sdelay $0x3  }
0x36: {  	p1 =	seq.s32 s10, $0x1;
	s10 =	sld [smem:$0x3FB6];
	_ =	sdelay $0x3  }
0x37: {  	[smem:$0x3FB6] =	sst s10  }
0x38: {  	s10 =	sld [smem:$0x3FB7]  }
0x39: {  	_ = 	snop;
	(pc) =	sbr.ind lr, $3  }
0x3a: {  	_ = 	snop  }
0x3b: {  	_ = 	snop  }
0x3c: {  	p2 =	seq.s32 s10, $0x1;
	s10 =	sld [smem:$0x3FB6]  }
0x3d: {  	_ =	shalt  }
0x3e: {  	_ =	shalt  }
0x3f: {  	_ =	shalt  }
0x40: {  	_ =	shalt  }
0x41: {  	_ =	shalt  }
0x42: {  	_ =	shalt  }
0x43: {  	_ =	shalt  }
0x44: {  	_ =	shalt  }
0x45: {  	_ =	shalt  }
0x46: {  	_ =	shalt  }
0x47: {  	_ =	shalt  }
0x48: {  	_ =	shalt  }
0x49: {  	_ =	shalt  }
0x4a: {  	_ =	shalt  }
0x4b: {  	_ =	shalt  }
0x4c: {  	_ =	shalt  }
0x4d: {  	_ =	shalt  }
0x4e: {  	_ =	shalt  }
0x4f: {  	_ =	shalt  }
0x50: {  	_ =	shalt  }
0x51: {  	_ =	shalt  }
0x52: {  	_ =	shalt  }
0x53: {  	_ =	shalt  }
0x54: {  	_ =	shalt  }
0x55: {  	_ =	shalt  }
0x56: {  	_ =	shalt  }
0x57: {  	_ =	shalt  }
0x58: {  	_ =	shalt  }
0x59: {  	_ =	shalt  }
0x5a: {  	_ =	shalt  }
0x5b: {  	_ =	shalt  }
0x5c: {  	_ =	shalt  }
0x5d: {  	_ =	shalt  }
0x5e: {  	_ =	shalt  }
0x5f: {  	_ =	shalt  }
0x60: {  	_ =	shalt  }
0x61: {  	_ =	shalt  }
0x62: {  	_ =	shalt  }
0x63: {  	_ =	shalt  }
0x64: {  	_ =	shalt  }
0x65: {  	_ =	shalt  }
0x66: {  	_ =	shalt  }
0x67: {  	_ =	shalt  }
0x68: {  	_ =	shalt  }
0x69: {  	_ =	shalt  }
0x6a: {  	_ =	shalt  }
0x6b: {  	_ =	shalt  }
0x6c: {  	_ =	shalt  }
0x6d: {  	_ =	shalt  }
0x6e: {  	_ =	shalt  }
0x6f: {  	_ =	shalt  }
0x70: {  	_ =	shalt  }
0x71: {  	_ =	shalt  }
0x72: {  	_ =	shalt  }
0x73: {  	_ =	shalt  }
0x74: {  	_ =	shalt  }
0x75: {  	_ =	shalt  }
0x76: {  	_ =	shalt  }
0x77: {  	_ =	shalt  }
0x78: {  	_ =	shalt  }
0x79: {  	_ =	shalt  }
0x7a: {  	_ =	shalt  }
0x7b: {  	_ =	shalt  }
0x7c: {  	_ =	shalt  }
0x7d: {  	_ =	shalt  }
0x7e: {  	_ =	shalt  }
0x7f: {  	_ =	shalt  }
0x80: {  	_ =	shalt  }
0x81: {  	_ =	shalt  }
0x82: {  	_ =	shalt  }
0x83: {  	_ =	shalt  }
0x84: {  	_ =	shalt  }
0x85: {  	_ =	shalt  }
0x86: {  	_ =	shalt  }
0x87: {  	_ =	shalt  }
.Lfunc_end0:
.L_simem_size_0:
called_computation.1_lowered:
.L_overlay_start_0:
0x88: {  	s2 =	sld [smem:$0x3FD9]  }
0x89: {  	s3 =	sld [smem:$0x3FFE];
	_ =	sdelay $0x1  }
0x8a: {  	s1 =	srdreg.scid  }
0x8b: {  	s0 =	sand.u32 $0x1, s1  }
0x8c: {  	s17 =	sshll.u32 s0, $0xA;
	s2 =	sadd.s32 s3, s2  }
0x8d: {  	s2 =	sadd.s32 s2, s17  }
0x8e: {  	[smem:$0x3FC2] =	sst s2  }
0x8f: {  	_ = 	snop  }
0x90: {  	s2 =	sld [smem:$0x3FD0];
	(tm) =	ssettm $0x1  }
0x91: {  	s18 =	sld [smem:$0x3FFB];
	_ =	sdelay $0x3  }
0x92: {  	_ =	strace s18  }
0x93: {  	s3 =	sld [smem:$0x3FFC];
	_ =	sdelay $0x3  }
0x94: {  	_ =	strace s3  }
0x95: {  	s3 =	sld [smem:$0x3FFD];
	_ =	sdelay $0x3  }
0x96: {  	_ =	strace s3  }
0x97: {  	_ =	strace $0x8FFFFFFF  }
0x98: {  	s19 =	sld [smem:$0x3FDB];
	_ =	sdelay $0x1  }
0x99: {  	s4 =	simm.s32 $_scs_section_size  }
0x9a: {  	s5 =	simm.s32 $_size__tile_overlayer_lowered;
	s6 =	simm.s32 $_tile_overlayer_lowered  }
0x9b: {  	s22 =	simm.s32 $0x1BFF;
	s21 =	sshll.u32 s6, $0x1;
	s3 =	sadd.s32 s4, s19  }
0x9c: {  	s7 =	simm.s32 $0x0;
	s20 =	sshll.u32 s5, $0x1;
	s5 =	sadd.s32 s21, s3  }
0x9d: {  	[timem:s7], [sflag:s22] =	dma.local [hbm:s5], s20  }
0x9e: {  	_ =	swait.ge [sflag:s22], s20  }
0x9f: {  	s4 =	ssub.s32 $0x0, s20;
	[sflag:s22] =	ssyncset.done $0x0  }
0xa0: {  	[sflag:s22] =	ssyncadd.s32 s4;
	_ =	sdelay $0x1  }
0xa1: {  	s23 =	simm.s32 $0x1B8B  }
0xa2: {  	_ =	swait.ge [sflag:s23], $0x1  }
0xa3: {  	[sflag:s23] =	ssyncset.done $0x0  }
0xa4: {  	s25 =	simm.s32 $0x1B8E;
	s24 =	sld [smem:$0x3FFE];
	[sflag:s23] =	ssyncadd.s32 $0xFFFFFFFF  }
0xa5: {  	s26 =	simm.s32 $execute0_lowered;
	[smem:$0x3FD2] =	sst s25  }
0xa6: {  	s5 =	sshll.u32 s26, $0x1;
	_ =	strace $0x80000049;
	[dreg:$0x1] =	wrdreg $0xFFFFFFFF  }
0xa7: {  	s28 =	simm.s32 $_size_execute0_lowered;
	s3 =	sadd.s32 s3, s5;
	[dreg:$0x0] =	wrdreg $0x0  }
0xa8: {  	s5 =	sshll.u32 s28, $0x1;
	[dreg:$0x2] =	wrdreg s3  }
0xa9: {  	[dreg:$0x3] =	wrdreg s5  }
0xaa: {  	[dreg:$0x4] =	wrdreg $0xC0  }
0xab: {  	_ =	task [dreg:s7], $0x5FFFF  }
0xac: {  	[dreg:$0x1] =	wrdreg $0xFFFFFFFF  }
0xad: {  	[dreg:$0x0] =	wrdreg $0x60  }
0xae: {  	[dreg:$0x2] =	wrdreg s24  }
0xaf: {  	[dreg:$0x3] =	wrdreg s2  }
0xb0: {  	[dreg:$0x4] =	wrdreg $0x90000  }
0xb1: {  	[dreg:$0x5] =	wrdreg $0x9  }
0xb2: {  	_ =	task.clear_ibuf [dreg:s7], $0x6FFFF;
	_ =	strace $0x90000049  }
0xb3: {  	s29 =	simm.s32 $0x9;
	_ =	strace $0x8000004B  }
0xb4: {  	_ =	swait.ge [sflag:s29], $0x1  }
0xb5: {  	[sflag:s29] =	ssyncadd.s32 $0xFFFFFFFF  }
0xb6: {  	_ =	strace $0x9000004B  }
0xb7: {  	_ =	sfence  }
0xb8: {  	s30 =	sld [smem:$0x0];
	_ =	sdelay $0x2  }
0xb9: {  	s31 =	sshll.u32 s1, $0xD;
	s1 =	sshrl.u32 s1, $0x2  }
0xba: {  	s3 =	sand.u32 $0x4000, s31;
	s1 =	sadd.s32 s1, s30  }
0xbb: {  	s0 =	sor.u32 s3, s0;
	s1 =	sshll.u32 s1, $0x11  }
0xbc: {  	s0 =	sor.u32 s1, s0  }
0xbd: {  	s0 =	sadd.s32 $0x8F2B, s0  }
0xbe: {  	[sflag:s0] =	ssyncadd.remote.s32 $0x1  }
0xbf: {  	_ =	sfence.sel $0xFFFF  }
0xc0: {  	[dreg:$0x0] =	wrdreg $0xFFFFFFFF;
	(pc) =	sbr.abs _section_cstart, $3  }
0xc1: {  	[dreg:$0x1] =	wrdreg $0xFFFFFFFF  }
0xc2: {  	_ =	task.clear_ibuf [dreg:s7], $0x2FFFF;
	_ =	strace $0x9FFFFFFF  }
0xc3: {  	(tm) =	ssettm $0x7FFFFFFF  }
tec
execute0_lowered:
.L_overlay_start_1:
0x0: {  	(tag) =	ssettag $0x1  }
0x1: {  	s6 =	rddreg [dreg:$0x0]  }
0x2: {  	s7 =	rddreg [dreg:$0x1]  }
0x3: {  	s0 =	srdreg.scid;
	s2 =	rddreg [dreg:$0x2];
	s3 =	simm.s32 $0x0  }
0x4: {  	s15 =	simm.s32 $0x2;
	s16 =	simm.s32 $0x2800;
	s17 =	simm.s32 $0x5000  }
0x5: {  	s18 =	simm.s32 $0x80;
	s19 =	simm.s32 $0x1;
	s5 =	sand.u32 $0x1, s0  }
0x6: {  	s22 =	simm.s32 $0x0;
	s0 =	stileid.u32;
	s9 =	smul.u32 $0x140000, s5  }
0x7: {  	[smem:$0x7FF] =	sst s3;
	s4 =	sadd.s32 $0x2600, s6;
	s10 =	smul.u32 $0x14000, s0  }
0x8: {  	s1 =	sshll.u32 s5, $0x4;
	s31 =	ssub.s32 $0x2, s5;
	s12 =	smul.u32 $0x50000, s0  }
0x9: {  	s5 =	sadd.s32 $0x1E00, s6;
	s20 =	sshll.u32 s0, $0x6;
	s1 =	sor.u32 s0, s1  }
0xa: {  	s13 =	sshrl.u32 s31, $0x1;
	s20 =	sor.u32 $0x1C02, s20;
	s8 =	smul.u32 $0x500, s1  }
0xb: {  	s1 =	rddreg [dreg:$0x3];
	_ =	strace $0x8000004A;
	s9 =	sadd.s32 s10, s9  }
0xc: {  	s10 =	ssub.s32 s31, s13;
	s12 =	sshrl.u32 s12, $0x2;
	s9 =	sshrl.u32 s9, $0x3  }
0xd: {  	s10 =	smax.u32 s10, $0x1;
	s11 =	sadd.s32 s8, s6;
	s9 =	sadd.s32 s9, s6  }
0xe: {  	s7 =	sadd.s32 s7, s8;
	s8 =	sadd.s32 s12, s2;
	s6 =	sadd.s32 $0x52E00, s11  }
0xf: {  	s9 =	sadd.s32 $0x5CE00, s9;
	s11 =	sadd.s32 $0x4000, s8;
	s12 =	sadd.s32 $0x8000, s8  }
0x10: {  	s13 =	sadd.s32 $0xC000, s8;
	s14 =	sadd.s32 $0x10000, s8;
	s21 =	sshrl.u32 s8, $0x3  }
.LBB2_1:
0x11: {  	[tilespmem:s3], [sflag:$0x2] =	stream.linear.gather [hbm4b:s6+s3], $0x2780, $0x38;
	[tilespmem:$0x1D000] =	vst v63  }
0x12: {  	_ =	swait.ge [sflag:s15], $0x2780  }
0x13: {  	[sflag:s15] =	ssyncset.done $0x0  }
0x14: {  	[sflag:s15] =	ssyncadd.s32 $0xFFFFD880  }
0x15: {  	[tilespmem:s16], [sflag:$0x2] =	stream.linear.gather [hbm4b:s7+s3], $0x2780, $0x38;
	[tilespmem:$0x1D000] =	vst v63  }
0x16: {  	_ =	swait.ge [sflag:s15], $0x2780  }
0x17: {  	[sflag:s15] =	ssyncset.done $0x0  }
0x18: {  	[sflag:s15] =	ssyncadd.s32 $0xFFFFD880  }
0x19: {  	[tilespmem:s17], [sflag:$0x2] =	stream.linear.gather [hbm4b:s5+s3], $0x4000, $0x38;
	[tilespmem:$0x1D000] =	vst v63  }
0x1a: {  	_ =	swait.ge [sflag:s15], $0x4000  }
0x1b: {  	[sflag:s15] =	ssyncset.done $0x0  }
0x1c: {  	[sflag:s15] =	ssyncadd.s32 $0xFFFFC000  }
0x1d: {  	[spmem:s8] =	stream.linear.scatter [tilespmem:s17], [sflag:$0x2], $0x4000, $0x38;
	[tilespmem:$0x1D000] =	vst v63  }
0x1e: {  	_ =	swait.ge [sflag:s15], $0x4000  }
0x1f: {  	[sflag:s15] =	ssyncset.done $0x0  }
0x20: {  	[sflag:s15] =	ssyncadd.s32 $0xFFFFC000  }
0x21: {  	[spmem:s11] =	stream.linear.scatter [tilespmem:s17], [sflag:$0x2], $0x4000, $0x38;
	[tilespmem:$0x1D000] =	vst v63  }
0x22: {  	_ =	swait.ge [sflag:s15], $0x4000  }
0x23: {  	[sflag:s15] =	ssyncset.done $0x0  }
0x24: {  	[sflag:s15] =	ssyncadd.s32 $0xFFFFC000  }
0x25: {  	[spmem:s12] =	stream.linear.scatter [tilespmem:s17], [sflag:$0x2], $0x4000, $0x38;
	[tilespmem:$0x1D000] =	vst v63  }
0x26: {  	_ =	swait.ge [sflag:s15], $0x4000  }
0x27: {  	[sflag:s15] =	ssyncset.done $0x0  }
0x28: {  	[sflag:s15] =	ssyncadd.s32 $0xFFFFC000  }
0x29: {  	[spmem:s13] =	stream.linear.scatter [tilespmem:s17], [sflag:$0x2], $0x4000, $0x38;
	[tilespmem:$0x1D000] =	vst v63  }
0x2a: {  	_ =	swait.ge [sflag:s15], $0x4000  }
0x2b: {  	[sflag:s15] =	ssyncset.done $0x0  }
0x2c: {  	[sflag:s15] =	ssyncadd.s32 $0xFFFFC000  }
0x2d: {  	[spmem:s14] =	stream.linear.scatter [tilespmem:s17], [sflag:$0x2], $0x4000, $0x38;
	[tilespmem:$0x1D000] =	vst v63  }
0x2e: {  	_ =	swait.ge [sflag:s15], $0x4000  }
0x2f: {  	[sflag:s15] =	ssyncset.done $0x0  }
0x30: {  	[sflag:s15] =	ssyncadd.s32 $0xFFFFC000  }
0x31: {  	s23 =	simm.s32 $0x0;
	[bflag:$0x0] =	sbarrier.arrive $0xFFFF  }
0x32: {  	[tilespmem:s17], [sflag:$0x1] =	stream.indirect.gather [hbm4b:s4+s18], $0x80, s23, s18, $0xb8;
	[tilespmem:$0x1D000] =	vst v63  }
0x33: {  	_ =	swait.ge [sflag:s19], $0x4000  }
0x34: {  	[sflag:s19] =	ssyncset.done $0x0  }
0x35: {  	s31 =	simm.s32 $0x2800;
	[sflag:s19] =	ssyncadd.s32 $0xFFFFC000  }
0x36: {  	[spmem:s2] =	stream.indirect.scatter.add.f32 [tilespmem:s17], [sflag:$0x2], $0x80, s31, s18, $0xb8;
	[tilespmem:$0x1D000] =	vst v63  }
0x37: {  	_ =	swait.ge [sflag:s15], $0x4000  }
0x38: {  	s24 =	simm.s32 $0x400;
	s23 =	simm.s32 $0x200;
	[sflag:s15] =	ssyncset.done $0x0  }
.LBB2_2:
0x39: {  	s25 =	sshra.s32 s23, $0x2  }
0x3a: {  	[sflag:s15] =	ssyncadd.s32 $0xFFFFC000;
	s23 =	smov.u32 s24;
	s26 =	sadd.s32 $0x200, s24  }
0x3b: {  	[tilespmem:s17], [sflag:$0x1] =	stream.indirect.gather [hbm4b:s4+s18], $0x80, s25, s18, $0xb8;
	[tilespmem:$0x1D000] =	vst v63  }
0x3c: {  	p0 =	sne.s32 s24, $0x9C00;
	_ =	swait.ge [sflag:s19], $0x4000  }
.Ltmp0:
0x3d: {  	[sflag:s19] =	ssyncset.done $0x0;
	(pc) =	sbr.rel @p0 .LBB2_2-.Ltmp0, $4  }
0x3e: {  	s24 =	sadd.s32 $0x2800, s25;
	[sflag:s19] =	ssyncadd.s32 $0xFFFFC000  }
0x3f: {  	[spmem:s2] =	stream.indirect.scatter.add.f32 [tilespmem:s17], [sflag:$0x2], $0x80, s24, s18, $0xb8;
	[tilespmem:$0x1D000] =	vst v63  }
0x40: {  	_ =	swait.ge [sflag:s15], $0x4000  }
0x41: {  	s24 =	smov.u32 s26;
	[sflag:s15] =	ssyncset.done $0x0  }
0x42: {  	s23 =	sshra.s32 s23, $0x2;
	[sflag:s15] =	ssyncadd.s32 $0xFFFFC000  }
0x43: {  	[tilespmem:s17], [sflag:$0x1] =	stream.indirect.gather [hbm4b:s4+s18], $0x80, s23, s18, $0xb8;
	[tilespmem:$0x1D000] =	vst v63  }
0x44: {  	_ =	swait.ge [sflag:s19], $0x4000  }
0x45: {  	[sflag:s19] =	ssyncset.done $0x0  }
0x46: {  	s23 =	sadd.s32 $0x2800, s23;
	[sflag:s19] =	ssyncadd.s32 $0xFFFFC000  }
0x47: {  	[spmem:s2] =	stream.indirect.scatter.add.f32 [tilespmem:s17], [sflag:$0x2], $0x80, s23, s18, $0xb8;
	[tilespmem:$0x1D000] =	vst v63  }
0x48: {  	_ =	swait.ge [sflag:s15], $0x4000  }
0x49: {  	s22 =	sadd.s32 $0x1, s22;
	[sflag:s15] =	ssyncset.done $0x0  }
0x4a: {  	p0 =	sne.s32 s22, s10;
	[sflag:s15] =	ssyncadd.s32 $0xFFFFC000  }
.Ltmp1:
0x4b: {  	[bflag:$0x0] =	sbarrier.arrive $0xFFFF;
	(pc) =	sbr.rel @p0 .LBB2_1-.Ltmp1, $4  }
0x4c: {  	[hbm:s9], [sflag:s20] =	dma.local [spmem:s21], $0x2800  }
0x4d: {  	_ =	swait.ge [sflag:s15], $0x2800  }
0x4e: {  	[sflag:s15] =	ssyncset.done $0x0  }
0x4f: {  	[sflag:s15] =	ssyncadd.s32 $0xFFFFD800  }
0x50: {  	_ =	sfence.sel $0x180000  }
0x51: {  	[bflag:$0x0] =	sbarrier.arrive $0xFFFF  }
0x52: {  	p0 =	sne.s32 s0, $0x0;
	_ =	strace $0x9000004A  }
0x53: {  	s0 =	sadd.s32 @!p0 $0x100000, s1;
	[bflag:$0x2] =	sbarrier.arrive $0xFFFF  }
0x54: {  	[sflag:s0] =	ssyncadd.tile.s32 @!p0 $0x1;
	_ =	shalt  }
.Lfunc_end2:
_tile_overlayer_lowered:
.L_overlay_start_2:
0x55: {  	(tag) =	ssettag $0x2  }
0x56: {  	s0 =	rddreg [dreg:$0x0];
	s2 =	stileid.u32  }
0x57: {  	s1 =	rddreg [dreg:$0x1];
	p0 =	sne.s32 s2, $0x0  }
0x58: {  	s3 =	rddreg [dreg:$0x2];
	[bflag:$0x3] =	sbarrier.arrive $0xFFFF;
	s2 =	simm.s32 @!p0 $0x1C02  }
0x59: {  	[timem:s3], [sflag:s2] =	dma.local @!p0 [hbm:s0], s1  }
0x5a: {  	s0 =	simm.s32 @!p0 $0x2  }
0x5b: {  	_ =	swait.ge @!p0 [sflag:s0], s1  }
0x5c: {  	s1 =	ssub.s32 @!p0 $0x0, s1;
	[sflag:s0] =	ssyncset.done @!p0 $0x0  }
0x5d: {  	[sflag:s0] =	ssyncadd.s32 @!p0 s1  }
0x5e: {  	[bflag:$0x3] =	sbarrier.arrive $0xFFFF  }
0x5f: {  	_ =	shalt  }

// kernel: kernel.14.cloned.1.call-start
scs
__scs_entry_jumppad:
0x0: {  	(pc) =	sbr.rel $0x88, $3  }
0x1: {  	(tag) =	ssettag $0x0;
	lr =	simm.s32 $0x1  }
0x2: {  	[smem:$0x3F9B] =	sst lr;
	_ =	strace $0xD0000000  }
0x3: {  	_ = 	snop  }
0x4: {  	_ = 	snop  }
0x5: {  	_ = 	snop  }
0x6: {  	_ = 	snop  }
0x7: {  	_ = 	snop  }
__scs_overlays_trampoline_lowered:
0x8: {  	[smem:$0x3FAA] =	sst s0  }
0x9: {  	[smem:$0x3FAB] =	sst s1  }
0xa: {  	[smem:$0x3FAC] =	sst s2  }
0xb: {  	[smem:$0x3FAD] =	sst s3  }
0xc: {  	[smem:$0x3FAE] =	sst s4  }
0xd: {  	[smem:$0x3FAF] =	sst s5  }
0xe: {  	[smem:$0x3FB0] =	sst s6  }
0xf: {  	[smem:$0x3FB1] =	sst s7  }
0x10: {  	[smem:$0x3FB2] =	sst s8  }
0x11: {  	[smem:$0x3FB3] =	sst s9;
	s0 =	simm.s32 @!p0 $0x0  }
0x12: {  	s1 =	sld [smem:$0x3F99];
	s0 =	simm.s32 @p0 $0x1  }
0x13: {  	[smem:$0x3FB4] =	sst s0;
	s0 =	simm.s32 @!p1 $0x0  }
0x14: {  	s2 =	sld [smem:$0x3F98];
	s0 =	simm.s32 @p1 $0x1  }
0x15: {  	[smem:$0x3FB5] =	sst s0;
	s0 =	simm.s32 @!p2 $0x0  }
0x16: {  	s3 =	sld [smem:$0x3FDB];
	s0 =	simm.s32 @p2 $0x1  }
0x17: {  	s4 =	simm.s32 $0x1BF5;
	[smem:$0x3FB7] =	sst s0  }
0x18: {  	s0 =	sld [smem:$0x3F9A];
	_ =	swait.ge [sflag:s4], $0x0  }
0x19: {  	s7 =	sld [smem:$0x3F9B]  }
0x1a: {  	s8 =	sadd.s32 $0xFFFFE003, lr  }
0x1b: {  	s9 =	sadd.s32 $0xFFFFFEF7, lr;
	s5 =	simm.s32 $0xFFFFFFFF;
	p2 =	slt.u32 s8, $0xFFFFF086  }
0x1c: {  	p1 =	slt.u32 s9, $0xF7A;
	s5 =	simm.s32 @!p2 $0x0  }
0x1d: {  	s5 =	simm.s32 @p1 $0x1;
	p0 =	seq.s32 s7, s2  }
0x1e: {  	s7 =	smul.u32 @!p0 $0xF7A, s2;
	p2 =	seq.s32 @!p0 s5, $0x0  }
0x1f: {  	s9 =	smul.u32 $0xF7A, s1;
	s8 =	simm.s32 @!p0 $0x1BF5;
	p2 =	por !p2, p0  }
0x20: {  	[sflag:s8] =	ssyncset.s32 @!p0 $0xFFFFF086;
	s6 =	sadd.s32 @!p0 s3, s7;
	s7 =	simm.s32 @!p0 $0x108  }
0x21: {  	s3 =	sadd.s32 s3, s9;
	s6 =	sadd.s32 @!p0 $0x88, s6;
	s7 =	simm.s32 @p2 $0x1082  }
0x22: {  	[simem:s7], [sflag:s8] =	dma.local @!p0 [hbm:s6], $0xF7A  }
0x23: {  	s9 =	sor.u32 $0xD0000000, s2;
	s6 =	simm.s32 $0x108;
	_ =	swait.ge @!p0 [sflag:s8], $0x0  }
0x24: {  	s3 =	sadd.s32 $0x88, s3;
	s6 =	simm.s32 @!p1 $0x1082;
	[sflag:s4] =	ssyncset.s32 $0xFFFFF086  }
0x25: {  	[simem:s6], [sflag:s4] =	dma.local [hbm:s3], $0xF7A  }
0x26: {  	[smem:$0x3F9B] =	sst s1;
	(tag) =	ssettag s2;
	_ =	strace s9  }
0x27: {  	s1 =	sld [smem:$0x3FAB]  }
0x28: {  	s2 =	sld [smem:$0x3FAC]  }
0x29: {  	s4 =	sld [smem:$0x3FAE]  }
0x2a: {  	p0 =	seq.s32 s5, $0x0;
	s5 =	sld [smem:$0x3FAF]  }
0x2b: {  	s6 =	sld [smem:$0x3FB0]  }
0x2c: {  	s7 =	sld [smem:$0x3FB1]  }
0x2d: {  	s3 =	simm.s32 $0x108;
	s8 =	sld [smem:$0x3FB2]  }
0x2e: {  	s3 =	simm.s32 @!p0 $0x1082;
	s9 =	sld [smem:$0x3FB3]  }
0x2f: {  	lr =	sadd.s32 s0, s3;
	s0 =	sld [smem:$0x3FAA]  }
0x30: {  	s3 =	sld [smem:$0x3FAD]  }
0x31: {  	[smem:$0x3FB6] =	sst s10  }
0x32: {  	s10 =	sld [smem:$0x3FB4];
	_ =	sdelay $0x3  }
0x33: {  	p0 =	seq.s32 s10, $0x1;
	s10 =	sld [smem:$0x3FB6];
	_ =	sdelay $0x3  }
0x34: {  	[smem:$0x3FB6] =	sst s10  }
0x35: {  	s10 =	sld [smem:$0x3FB5];
	_ =	sdelay $0x3  }
0x36: {  	p1 =	seq.s32 s10, $0x1;
	s10 =	sld [smem:$0x3FB6];
	_ =	sdelay $0x3  }
0x37: {  	[smem:$0x3FB6] =	sst s10  }
0x38: {  	s10 =	sld [smem:$0x3FB7]  }
0x39: {  	_ = 	snop;
	(pc) =	sbr.ind lr, $3  }
0x3a: {  	_ = 	snop  }
0x3b: {  	_ = 	snop  }
0x3c: {  	p2 =	seq.s32 s10, $0x1;
	s10 =	sld [smem:$0x3FB6]  }
0x3d: {  	_ =	shalt  }
0x3e: {  	_ =	shalt  }
0x3f: {  	_ =	shalt  }
0x40: {  	_ =	shalt  }
0x41: {  	_ =	shalt  }
0x42: {  	_ =	shalt  }
0x43: {  	_ =	shalt  }
0x44: {  	_ =	shalt  }
0x45: {  	_ =	shalt  }
0x46: {  	_ =	shalt  }
0x47: {  	_ =	shalt  }
0x48: {  	_ =	shalt  }
0x49: {  	_ =	shalt  }
0x4a: {  	_ =	shalt  }
0x4b: {  	_ =	shalt  }
0x4c: {  	_ =	shalt  }
0x4d: {  	_ =	shalt  }
0x4e: {  	_ =	shalt  }
0x4f: {  	_ =	shalt  }
0x50: {  	_ =	shalt  }
0x51: {  	_ =	shalt  }
0x52: {  	_ =	shalt  }
0x53: {  	_ =	shalt  }
0x54: {  	_ =	shalt  }
0x55: {  	_ =	shalt  }
0x56: {  	_ =	shalt  }
0x57: {  	_ =	shalt  }
0x58: {  	_ =	shalt  }
0x59: {  	_ =	shalt  }
0x5a: {  	_ =	shalt  }
0x5b: {  	_ =	shalt  }
0x5c: {  	_ =	shalt  }
0x5d: {  	_ =	shalt  }
0x5e: {  	_ =	shalt  }
0x5f: {  	_ =	shalt  }
0x60: {  	_ =	shalt  }
0x61: {  	_ =	shalt  }
0x62: {  	_ =	shalt  }
0x63: {  	_ =	shalt  }
0x64: {  	_ =	shalt  }
0x65: {  	_ =	shalt  }
0x66: {  	_ =	shalt  }
0x67: {  	_ =	shalt  }
0x68: {  	_ =	shalt  }
0x69: {  	_ =	shalt  }
0x6a: {  	_ =	shalt  }
0x6b: {  	_ =	shalt  }
0x6c: {  	_ =	shalt  }
0x6d: {  	_ =	shalt  }
0x6e: {  	_ =	shalt  }
0x6f: {  	_ =	shalt  }
0x70: {  	_ =	shalt  }
0x71: {  	_ =	shalt  }
0x72: {  	_ =	shalt  }
0x73: {  	_ =	shalt  }
0x74: {  	_ =	shalt  }
0x75: {  	_ =	shalt  }
0x76: {  	_ =	shalt  }
0x77: {  	_ =	shalt  }
0x78: {  	_ =	shalt  }
0x79: {  	_ =	shalt  }
0x7a: {  	_ =	shalt  }
0x7b: {  	_ =	shalt  }
0x7c: {  	_ =	shalt  }
0x7d: {  	_ =	shalt  }
0x7e: {  	_ =	shalt  }
0x7f: {  	_ =	shalt  }
0x80: {  	_ =	shalt  }
0x81: {  	_ =	shalt  }
0x82: {  	_ =	shalt  }
0x83: {  	_ =	shalt  }
0x84: {  	_ =	shalt  }
0x85: {  	_ =	shalt  }
0x86: {  	_ =	shalt  }
0x87: {  	_ =	shalt  }
.Lfunc_end0:
.L_simem_size_0:
called_computation.2_lowered:
.L_overlay_start_0:
0x88: {  	s2 =	sld [smem:$0x3FD9]  }
0x89: {  	s3 =	sld [smem:$0x3FFE];
	_ =	sdelay $0x1  }
0x8a: {  	s1 =	srdreg.scid  }
0x8b: {  	s0 =	sand.u32 $0x1, s1  }
0x8c: {  	s17 =	sshll.u32 s0, $0xA;
	s2 =	sadd.s32 s3, s2  }
0x8d: {  	s2 =	sadd.s32 s2, s17  }
0x8e: {  	[smem:$0x3FC2] =	sst s2  }
0x8f: {  	_ = 	snop  }
0x90: {  	s2 =	sld [smem:$0x3FD0];
	(tm) =	ssettm $0x1  }
0x91: {  	s18 =	sld [smem:$0x3FFB];
	_ =	sdelay $0x3  }
0x92: {  	_ =	strace s18  }
0x93: {  	s3 =	sld [smem:$0x3FFC];
	_ =	sdelay $0x3  }
0x94: {  	_ =	strace s3  }
0x95: {  	s3 =	sld [smem:$0x3FFD];
	_ =	sdelay $0x3  }
0x96: {  	_ =	strace s3  }
0x97: {  	_ =	strace $0x8FFFFFFF  }
0x98: {  	s19 =	sld [smem:$0x3FDB];
	_ =	sdelay $0x1  }
0x99: {  	s4 =	simm.s32 $_scs_section_size  }
0x9a: {  	s5 =	simm.s32 $_size__tile_overlayer_lowered;
	s6 =	simm.s32 $_tile_overlayer_lowered  }
0x9b: {  	s22 =	simm.s32 $0x1BFF;
	s21 =	sshll.u32 s6, $0x1;
	s3 =	sadd.s32 s4, s19  }
0x9c: {  	s7 =	simm.s32 $0x0;
	s20 =	sshll.u32 s5, $0x1;
	s5 =	sadd.s32 s21, s3  }
0x9d: {  	[timem:s7], [sflag:s22] =	dma.local [hbm:s5], s20  }
0x9e: {  	_ =	swait.ge [sflag:s22], s20  }
0x9f: {  	s4 =	ssub.s32 $0x0, s20;
	[sflag:s22] =	ssyncset.done $0x0  }
0xa0: {  	[sflag:s22] =	ssyncadd.s32 s4;
	_ =	sdelay $0x1  }
0xa1: {  	s23 =	simm.s32 $0x1B8B  }
0xa2: {  	_ =	swait.ge [sflag:s23], $0x1  }
0xa3: {  	[sflag:s23] =	ssyncset.done $0x0  }
0xa4: {  	s25 =	simm.s32 $0x1B8E;
	s24 =	sld [smem:$0x3FFE];
	[sflag:s23] =	ssyncadd.s32 $0xFFFFFFFF  }
0xa5: {  	s26 =	simm.s32 $execute0_lowered;
	[smem:$0x3FD2] =	sst s25  }
0xa6: {  	s5 =	sshll.u32 s26, $0x1;
	_ =	strace $0x8000004C;
	[dreg:$0x1] =	wrdreg $0xFFFFFFFF  }
0xa7: {  	s28 =	simm.s32 $_size_execute0_lowered;
	s3 =	sadd.s32 s3, s5;
	[dreg:$0x0] =	wrdreg $0x0  }
0xa8: {  	s5 =	sshll.u32 s28, $0x1;
	[dreg:$0x2] =	wrdreg s3  }
0xa9: {  	[dreg:$0x3] =	wrdreg s5  }
0xaa: {  	[dreg:$0x4] =	wrdreg $0xC0  }
0xab: {  	_ =	task [dreg:s7], $0x5FFFF  }
0xac: {  	[dreg:$0x1] =	wrdreg $0xFFFFFFFF  }
0xad: {  	[dreg:$0x0] =	wrdreg $0x60  }
0xae: {  	[dreg:$0x2] =	wrdreg s24  }
0xaf: {  	[dreg:$0x3] =	wrdreg s2  }
0xb0: {  	[dreg:$0x4] =	wrdreg $0x90000  }
0xb1: {  	[dreg:$0x5] =	wrdreg $0x9  }
0xb2: {  	_ =	task.clear_ibuf [dreg:s7], $0x6FFFF;
	_ =	strace $0x9000004C  }
0xb3: {  	s29 =	simm.s32 $0x9;
	_ =	strace $0x8000004E  }
0xb4: {  	_ =	swait.ge [sflag:s29], $0x1  }
0xb5: {  	[sflag:s29] =	ssyncadd.s32 $0xFFFFFFFF  }
0xb6: {  	_ =	strace $0x9000004E  }
0xb7: {  	_ =	sfence  }
0xb8: {  	s30 =	sld [smem:$0x0];
	_ =	sdelay $0x2  }
0xb9: {  	s31 =	sshll.u32 s1, $0xD;
	s1 =	sshrl.u32 s1, $0x2  }
0xba: {  	s3 =	sand.u32 $0x4000, s31;
	s1 =	sadd.s32 s1, s30  }
0xbb: {  	s0 =	sor.u32 s3, s0;
	s1 =	sshll.u32 s1, $0x11  }
0xbc: {  	s0 =	sor.u32 s1, s0  }
0xbd: {  	s0 =	sadd.s32 $0x8F2B, s0  }
0xbe: {  	[sflag:s0] =	ssyncadd.remote.s32 $0x1  }
0xbf: {  	_ =	sfence.sel $0xFFFF  }
0xc0: {  	[dreg:$0x0] =	wrdreg $0xFFFFFFFF;
	(pc) =	sbr.abs _section_cstart, $3  }
0xc1: {  	[dreg:$0x1] =	wrdreg $0xFFFFFFFF  }
0xc2: {  	_ =	task.clear_ibuf [dreg:s7], $0x2FFFF;
	_ =	strace $0x9FFFFFFF  }
0xc3: {  	(tm) =	ssettm $0x7FFFFFFF  }
tec
execute0_lowered:
.L_overlay_start_1:
0x0: {  	(tag) =	ssettag $0x1  }
0x1: {  	s6 =	rddreg [dreg:$0x0]  }
0x2: {  	s7 =	rddreg [dreg:$0x1]  }
0x3: {  	s0 =	srdreg.scid;
	s2 =	rddreg [dreg:$0x2];
	s3 =	simm.s32 $0x0  }
0x4: {  	s15 =	simm.s32 $0x2;
	s16 =	simm.s32 $0x2800;
	s17 =	simm.s32 $0x5000  }
0x5: {  	s18 =	simm.s32 $0x80;
	s19 =	simm.s32 $0x1;
	s5 =	sand.u32 $0x1, s0  }
0x6: {  	s22 =	simm.s32 $0x0;
	s0 =	stileid.u32;
	s9 =	smul.u32 $0x140000, s5  }
0x7: {  	[smem:$0x7FF] =	sst s3;
	s4 =	sadd.s32 $0x2600, s6;
	s10 =	smul.u32 $0x14000, s0  }
0x8: {  	s1 =	sshll.u32 s5, $0x4;
	s31 =	ssub.s32 $0x2, s5;
	s12 =	smul.u32 $0x50000, s0  }
0x9: {  	s5 =	sadd.s32 $0x1E00, s6;
	s20 =	sshll.u32 s0, $0x6;
	s1 =	sor.u32 s0, s1  }
0xa: {  	s13 =	sshrl.u32 s31, $0x1;
	s20 =	sor.u32 $0x1C02, s20;
	s8 =	smul.u32 $0x500, s1  }
0xb: {  	s1 =	rddreg [dreg:$0x3];
	_ =	strace $0x8000004D;
	s9 =	sadd.s32 s10, s9  }
0xc: {  	s10 =	ssub.s32 s31, s13;
	s12 =	sshrl.u32 s12, $0x2;
	s9 =	sshrl.u32 s9, $0x3  }
0xd: {  	s10 =	smax.u32 s10, $0x1;
	s11 =	sadd.s32 s8, s6;
	s9 =	sadd.s32 s9, s6  }
0xe: {  	s7 =	sadd.s32 s7, s8;
	s8 =	sadd.s32 s12, s2;
	s6 =	sadd.s32 $0x52E00, s11  }
0xf: {  	s9 =	sadd.s32 $0x5CE00, s9;
	s11 =	sadd.s32 $0x4000, s8;
	s12 =	sadd.s32 $0x8000, s8  }
0x10: {  	s13 =	sadd.s32 $0xC000, s8;
	s14 =	sadd.s32 $0x10000, s8;
	s21 =	sshrl.u32 s8, $0x3  }
.LBB2_1:
0x11: {  	[tilespmem:s3], [sflag:$0x2] =	stream.linear.gather [hbm4b:s6+s3], $0x2780, $0x38;
	[tilespmem:$0x1D000] =	vst v63  }
0x12: {  	_ =	swait.ge [sflag:s15], $0x2780  }
0x13: {  	[sflag:s15] =	ssyncset.done $0x0  }
0x14: {  	[sflag:s15] =	ssyncadd.s32 $0xFFFFD880  }
0x15: {  	[tilespmem:s16], [sflag:$0x2] =	stream.linear.gather [hbm4b:s7+s3], $0x2780, $0x38;
	[tilespmem:$0x1D000] =	vst v63  }
0x16: {  	_ =	swait.ge [sflag:s15], $0x2780  }
0x17: {  	[sflag:s15] =	ssyncset.done $0x0  }
0x18: {  	[sflag:s15] =	ssyncadd.s32 $0xFFFFD880  }
0x19: {  	[tilespmem:s17], [sflag:$0x2] =	stream.linear.gather [hbm4b:s5+s3], $0x4000, $0x38;
	[tilespmem:$0x1D000] =	vst v63  }
0x1a: {  	_ =	swait.ge [sflag:s15], $0x4000  }
0x1b: {  	[sflag:s15] =	ssyncset.done $0x0  }
0x1c: {  	[sflag:s15] =	ssyncadd.s32 $0xFFFFC000  }
0x1d: {  	[spmem:s8] =	stream.linear.scatter [tilespmem:s17], [sflag:$0x2], $0x4000, $0x38;
	[tilespmem:$0x1D000] =	vst v63  }
0x1e: {  	_ =	swait.ge [sflag:s15], $0x4000  }
0x1f: {  	[sflag:s15] =	ssyncset.done $0x0  }
0x20: {  	[sflag:s15] =	ssyncadd.s32 $0xFFFFC000  }
0x21: {  	[spmem:s11] =	stream.linear.scatter [tilespmem:s17], [sflag:$0x2], $0x4000, $0x38;
	[tilespmem:$0x1D000] =	vst v63  }
0x22: {  	_ =	swait.ge [sflag:s15], $0x4000  }
0x23: {  	[sflag:s15] =	ssyncset.done $0x0  }
0x24: {  	[sflag:s15] =	ssyncadd.s32 $0xFFFFC000  }
0x25: {  	[spmem:s12] =	stream.linear.scatter [tilespmem:s17], [sflag:$0x2], $0x4000, $0x38;
	[tilespmem:$0x1D000] =	vst v63  }
0x26: {  	_ =	swait.ge [sflag:s15], $0x4000  }
0x27: {  	[sflag:s15] =	ssyncset.done $0x0  }
0x28: {  	[sflag:s15] =	ssyncadd.s32 $0xFFFFC000  }
0x29: {  	[spmem:s13] =	stream.linear.scatter [tilespmem:s17], [sflag:$0x2], $0x4000, $0x38;
	[tilespmem:$0x1D000] =	vst v63  }
0x2a: {  	_ =	swait.ge [sflag:s15], $0x4000  }
0x2b: {  	[sflag:s15] =	ssyncset.done $0x0  }
0x2c: {  	[sflag:s15] =	ssyncadd.s32 $0xFFFFC000  }
0x2d: {  	[spmem:s14] =	stream.linear.scatter [tilespmem:s17], [sflag:$0x2], $0x4000, $0x38;
	[tilespmem:$0x1D000] =	vst v63  }
0x2e: {  	_ =	swait.ge [sflag:s15], $0x4000  }
0x2f: {  	[sflag:s15] =	ssyncset.done $0x0  }
0x30: {  	[sflag:s15] =	ssyncadd.s32 $0xFFFFC000  }
0x31: {  	s23 =	simm.s32 $0x0;
	[bflag:$0x0] =	sbarrier.arrive $0xFFFF  }
0x32: {  	[tilespmem:s17], [sflag:$0x1] =	stream.indirect.gather [hbm4b:s4+s18], $0x80, s23, s18, $0xb8;
	[tilespmem:$0x1D000] =	vst v63  }
0x33: {  	_ =	swait.ge [sflag:s19], $0x4000  }
0x34: {  	[sflag:s19] =	ssyncset.done $0x0  }
0x35: {  	s31 =	simm.s32 $0x2800;
	[sflag:s19] =	ssyncadd.s32 $0xFFFFC000  }
0x36: {  	[spmem:s2] =	stream.indirect.scatter.add.f32 [tilespmem:s17], [sflag:$0x2], $0x80, s31, s18, $0xb8;
	[tilespmem:$0x1D000] =	vst v63  }
0x37: {  	_ =	swait.ge [sflag:s15], $0x4000  }
0x38: {  	s24 =	simm.s32 $0x400;
	s23 =	simm.s32 $0x200;
	[sflag:s15] =	ssyncset.done $0x0  }
.LBB2_2:
0x39: {  	s25 =	sshra.s32 s23, $0x2  }
0x3a: {  	[sflag:s15] =	ssyncadd.s32 $0xFFFFC000;
	s23 =	smov.u32 s24;
	s26 =	sadd.s32 $0x200, s24  }
0x3b: {  	[tilespmem:s17], [sflag:$0x1] =	stream.indirect.gather [hbm4b:s4+s18], $0x80, s25, s18, $0xb8;
	[tilespmem:$0x1D000] =	vst v63  }
0x3c: {  	p0 =	sne.s32 s24, $0x9C00;
	_ =	swait.ge [sflag:s19], $0x4000  }
.Ltmp0:
0x3d: {  	[sflag:s19] =	ssyncset.done $0x0;
	(pc) =	sbr.rel @p0 .LBB2_2-.Ltmp0, $4  }
0x3e: {  	s24 =	sadd.s32 $0x2800, s25;
	[sflag:s19] =	ssyncadd.s32 $0xFFFFC000  }
0x3f: {  	[spmem:s2] =	stream.indirect.scatter.add.f32 [tilespmem:s17], [sflag:$0x2], $0x80, s24, s18, $0xb8;
	[tilespmem:$0x1D000] =	vst v63  }
0x40: {  	_ =	swait.ge [sflag:s15], $0x4000  }
0x41: {  	s24 =	smov.u32 s26;
	[sflag:s15] =	ssyncset.done $0x0  }
0x42: {  	s23 =	sshra.s32 s23, $0x2;
	[sflag:s15] =	ssyncadd.s32 $0xFFFFC000  }
0x43: {  	[tilespmem:s17], [sflag:$0x1] =	stream.indirect.gather [hbm4b:s4+s18], $0x80, s23, s18, $0xb8;
	[tilespmem:$0x1D000] =	vst v63  }
0x44: {  	_ =	swait.ge [sflag:s19], $0x4000  }
0x45: {  	[sflag:s19] =	ssyncset.done $0x0  }
0x46: {  	s23 =	sadd.s32 $0x2800, s23;
	[sflag:s19] =	ssyncadd.s32 $0xFFFFC000  }
0x47: {  	[spmem:s2] =	stream.indirect.scatter.add.f32 [tilespmem:s17], [sflag:$0x2], $0x80, s23, s18, $0xb8;
	[tilespmem:$0x1D000] =	vst v63  }
0x48: {  	_ =	swait.ge [sflag:s15], $0x4000  }
0x49: {  	s22 =	sadd.s32 $0x1, s22;
	[sflag:s15] =	ssyncset.done $0x0  }
0x4a: {  	p0 =	sne.s32 s22, s10;
	[sflag:s15] =	ssyncadd.s32 $0xFFFFC000  }
.Ltmp1:
0x4b: {  	[bflag:$0x0] =	sbarrier.arrive $0xFFFF;
	(pc) =	sbr.rel @p0 .LBB2_1-.Ltmp1, $4  }
0x4c: {  	[hbm:s9], [sflag:s20] =	dma.local [spmem:s21], $0x2800  }
0x4d: {  	_ =	swait.ge [sflag:s15], $0x2800  }
0x4e: {  	[sflag:s15] =	ssyncset.done $0x0  }
0x4f: {  	[sflag:s15] =	ssyncadd.s32 $0xFFFFD800  }
0x50: {  	_ =	sfence.sel $0x180000  }
0x51: {  	[bflag:$0x0] =	sbarrier.arrive $0xFFFF  }
0x52: {  	p0 =	sne.s32 s0, $0x0;
	_ =	strace $0x9000004D  }
0x53: {  	s0 =	sadd.s32 @!p0 $0x100000, s1;
	[bflag:$0x2] =	sbarrier.arrive $0xFFFF  }
0x54: {  	[sflag:s0] =	ssyncadd.tile.s32 @!p0 $0x1;
	_ =	shalt  }
.Lfunc_end2:
_tile_overlayer_lowered:
.L_overlay_start_2:
0x55: {  	(tag) =	ssettag $0x2  }
0x56: {  	s0 =	rddreg [dreg:$0x0];
	s2 =	stileid.u32  }
0x57: {  	s1 =	rddreg [dreg:$0x1];
	p0 =	sne.s32 s2, $0x0  }
0x58: {  	s3 =	rddreg [dreg:$0x2];
	[bflag:$0x3] =	sbarrier.arrive $0xFFFF;
	s2 =	simm.s32 @!p0 $0x1C02  }
0x59: {  	[timem:s3], [sflag:s2] =	dma.local @!p0 [hbm:s0], s1  }
0x5a: {  	s0 =	simm.s32 @!p0 $0x2  }
0x5b: {  	_ =	swait.ge @!p0 [sflag:s0], s1  }
0x5c: {  	s1 =	ssub.s32 @!p0 $0x0, s1;
	[sflag:s0] =	ssyncset.done @!p0 $0x0  }
0x5d: {  	[sflag:s0] =	ssyncadd.s32 @!p0 s1  }
0x5e: {  	[bflag:$0x3] =	sbarrier.arrive $0xFFFF  }
0x5f: {  	_ =	shalt  }

// kernel: kernel.8.cloned.1.call-start
scs
__scs_entry_jumppad:
0x0: {  	(pc) =	sbr.rel $0x88, $3  }
0x1: {  	(tag) =	ssettag $0x0;
	lr =	simm.s32 $0x1  }
0x2: {  	[smem:$0x3F9B] =	sst lr;
	_ =	strace $0xD0000000  }
0x3: {  	_ = 	snop  }
0x4: {  	_ = 	snop  }
0x5: {  	_ = 	snop  }
0x6: {  	_ = 	snop  }
0x7: {  	_ = 	snop  }
__scs_overlays_trampoline_lowered:
0x8: {  	[smem:$0x3FAA] =	sst s0  }
0x9: {  	[smem:$0x3FAB] =	sst s1  }
0xa: {  	[smem:$0x3FAC] =	sst s2  }
0xb: {  	[smem:$0x3FAD] =	sst s3  }
0xc: {  	[smem:$0x3FAE] =	sst s4  }
0xd: {  	[smem:$0x3FAF] =	sst s5  }
0xe: {  	[smem:$0x3FB0] =	sst s6  }
0xf: {  	[smem:$0x3FB1] =	sst s7  }
0x10: {  	[smem:$0x3FB2] =	sst s8  }
0x11: {  	[smem:$0x3FB3] =	sst s9;
	s0 =	simm.s32 @!p0 $0x0  }
0x12: {  	s1 =	sld [smem:$0x3F99];
	s0 =	simm.s32 @p0 $0x1  }
0x13: {  	[smem:$0x3FB4] =	sst s0;
	s0 =	simm.s32 @!p1 $0x0  }
0x14: {  	s2 =	sld [smem:$0x3F98];
	s0 =	simm.s32 @p1 $0x1  }
0x15: {  	[smem:$0x3FB5] =	sst s0;
	s0 =	simm.s32 @!p2 $0x0  }
0x16: {  	s3 =	sld [smem:$0x3FDB];
	s0 =	simm.s32 @p2 $0x1  }
0x17: {  	s4 =	simm.s32 $0x1BF5;
	[smem:$0x3FB7] =	sst s0  }
0x18: {  	s0 =	sld [smem:$0x3F9A];
	_ =	swait.ge [sflag:s4], $0x0  }
0x19: {  	s7 =	sld [smem:$0x3F9B]  }
0x1a: {  	s8 =	sadd.s32 $0xFFFFE003, lr  }
0x1b: {  	s9 =	sadd.s32 $0xFFFFFEF7, lr;
	s5 =	simm.s32 $0xFFFFFFFF;
	p2 =	slt.u32 s8, $0xFFFFF086  }
0x1c: {  	p1 =	slt.u32 s9, $0xF7A;
	s5 =	simm.s32 @!p2 $0x0  }
0x1d: {  	s5 =	simm.s32 @p1 $0x1;
	p0 =	seq.s32 s7, s2  }
0x1e: {  	s7 =	smul.u32 @!p0 $0xF7A, s2;
	p2 =	seq.s32 @!p0 s5, $0x0  }
0x1f: {  	s9 =	smul.u32 $0xF7A, s1;
	s8 =	simm.s32 @!p0 $0x1BF5;
	p2 =	por !p2, p0  }
0x20: {  	[sflag:s8] =	ssyncset.s32 @!p0 $0xFFFFF086;
	s6 =	sadd.s32 @!p0 s3, s7;
	s7 =	simm.s32 @!p0 $0x108  }
0x21: {  	s3 =	sadd.s32 s3, s9;
	s6 =	sadd.s32 @!p0 $0x88, s6;
	s7 =	simm.s32 @p2 $0x1082  }
0x22: {  	[simem:s7], [sflag:s8] =	dma.local @!p0 [hbm:s6], $0xF7A  }
0x23: {  	s9 =	sor.u32 $0xD0000000, s2;
	s6 =	simm.s32 $0x108;
	_ =	swait.ge @!p0 [sflag:s8], $0x0  }
0x24: {  	s3 =	sadd.s32 $0x88, s3;
	s6 =	simm.s32 @!p1 $0x1082;
	[sflag:s4] =	ssyncset.s32 $0xFFFFF086  }
0x25: {  	[simem:s6], [sflag:s4] =	dma.local [hbm:s3], $0xF7A  }
0x26: {  	[smem:$0x3F9B] =	sst s1;
	(tag) =	ssettag s2;
	_ =	strace s9  }
0x27: {  	s1 =	sld [smem:$0x3FAB]  }
0x28: {  	s2 =	sld [smem:$0x3FAC]  }
0x29: {  	s4 =	sld [smem:$0x3FAE]  }
0x2a: {  	p0 =	seq.s32 s5, $0x0;
	s5 =	sld [smem:$0x3FAF]  }
0x2b: {  	s6 =	sld [smem:$0x3FB0]  }
0x2c: {  	s7 =	sld [smem:$0x3FB1]  }
0x2d: {  	s3 =	simm.s32 $0x108;
	s8 =	sld [smem:$0x3FB2]  }
0x2e: {  	s3 =	simm.s32 @!p0 $0x1082;
	s9 =	sld [smem:$0x3FB3]  }
0x2f: {  	lr =	sadd.s32 s0, s3;
	s0 =	sld [smem:$0x3FAA]  }
0x30: {  	s3 =	sld [smem:$0x3FAD]  }
0x31: {  	[smem:$0x3FB6] =	sst s10  }
0x32: {  	s10 =	sld [smem:$0x3FB4];
	_ =	sdelay $0x3  }
0x33: {  	p0 =	seq.s32 s10, $0x1;
	s10 =	sld [smem:$0x3FB6];
	_ =	sdelay $0x3  }
0x34: {  	[smem:$0x3FB6] =	sst s10  }
0x35: {  	s10 =	sld [smem:$0x3FB5];
	_ =	sdelay $0x3  }
0x36: {  	p1 =	seq.s32 s10, $0x1;
	s10 =	sld [smem:$0x3FB6];
	_ =	sdelay $0x3  }
0x37: {  	[smem:$0x3FB6] =	sst s10  }
0x38: {  	s10 =	sld [smem:$0x3FB7]  }
0x39: {  	_ = 	snop;
	(pc) =	sbr.ind lr, $3  }
0x3a: {  	_ = 	snop  }
0x3b: {  	_ = 	snop  }
0x3c: {  	p2 =	seq.s32 s10, $0x1;
	s10 =	sld [smem:$0x3FB6]  }
0x3d: {  	_ =	shalt  }
0x3e: {  	_ =	shalt  }
0x3f: {  	_ =	shalt  }
0x40: {  	_ =	shalt  }
0x41: {  	_ =	shalt  }
0x42: {  	_ =	shalt  }
0x43: {  	_ =	shalt  }
0x44: {  	_ =	shalt  }
0x45: {  	_ =	shalt  }
0x46: {  	_ =	shalt  }
0x47: {  	_ =	shalt  }
0x48: {  	_ =	shalt  }
0x49: {  	_ =	shalt  }
0x4a: {  	_ =	shalt  }
0x4b: {  	_ =	shalt  }
0x4c: {  	_ =	shalt  }
0x4d: {  	_ =	shalt  }
0x4e: {  	_ =	shalt  }
0x4f: {  	_ =	shalt  }
0x50: {  	_ =	shalt  }
0x51: {  	_ =	shalt  }
0x52: {  	_ =	shalt  }
0x53: {  	_ =	shalt  }
0x54: {  	_ =	shalt  }
0x55: {  	_ =	shalt  }
0x56: {  	_ =	shalt  }
0x57: {  	_ =	shalt  }
0x58: {  	_ =	shalt  }
0x59: {  	_ =	shalt  }
0x5a: {  	_ =	shalt  }
0x5b: {  	_ =	shalt  }
0x5c: {  	_ =	shalt  }
0x5d: {  	_ =	shalt  }
0x5e: {  	_ =	shalt  }
0x5f: {  	_ =	shalt  }
0x60: {  	_ =	shalt  }
0x61: {  	_ =	shalt  }
0x62: {  	_ =	shalt  }
0x63: {  	_ =	shalt  }
0x64: {  	_ =	shalt  }
0x65: {  	_ =	shalt  }
0x66: {  	_ =	shalt  }
0x67: {  	_ =	shalt  }
0x68: {  	_ =	shalt  }
0x69: {  	_ =	shalt  }
0x6a: {  	_ =	shalt  }
0x6b: {  	_ =	shalt  }
0x6c: {  	_ =	shalt  }
0x6d: {  	_ =	shalt  }
0x6e: {  	_ =	shalt  }
0x6f: {  	_ =	shalt  }
0x70: {  	_ =	shalt  }
0x71: {  	_ =	shalt  }
0x72: {  	_ =	shalt  }
0x73: {  	_ =	shalt  }
0x74: {  	_ =	shalt  }
0x75: {  	_ =	shalt  }
0x76: {  	_ =	shalt  }
0x77: {  	_ =	shalt  }
0x78: {  	_ =	shalt  }
0x79: {  	_ =	shalt  }
0x7a: {  	_ =	shalt  }
0x7b: {  	_ =	shalt  }
0x7c: {  	_ =	shalt  }
0x7d: {  	_ =	shalt  }
0x7e: {  	_ =	shalt  }
0x7f: {  	_ =	shalt  }
0x80: {  	_ =	shalt  }
0x81: {  	_ =	shalt  }
0x82: {  	_ =	shalt  }
0x83: {  	_ =	shalt  }
0x84: {  	_ =	shalt  }
0x85: {  	_ =	shalt  }
0x86: {  	_ =	shalt  }
0x87: {  	_ =	shalt  }
.Lfunc_end0:
.L_simem_size_0:
called_computation_lowered:
.L_overlay_start_0:
0x88: {  	s2 =	sld [smem:$0x3FD9]  }
0x89: {  	s3 =	sld [smem:$0x3FFE];
	_ =	sdelay $0x1  }
0x8a: {  	s1 =	srdreg.scid  }
0x8b: {  	s0 =	sand.u32 $0x1, s1  }
0x8c: {  	s17 =	sshll.u32 s0, $0xA;
	s2 =	sadd.s32 s3, s2  }
0x8d: {  	s2 =	sadd.s32 s2, s17  }
0x8e: {  	[smem:$0x3FC2] =	sst s2  }
0x8f: {  	_ = 	snop  }
0x90: {  	s2 =	sld [smem:$0x3FD0];
	(tm) =	ssettm $0x1  }
0x91: {  	s18 =	sld [smem:$0x3FFB];
	_ =	sdelay $0x3  }
0x92: {  	_ =	strace s18  }
0x93: {  	s3 =	sld [smem:$0x3FFC];
	_ =	sdelay $0x3  }
0x94: {  	_ =	strace s3  }
0x95: {  	s3 =	sld [smem:$0x3FFD];
	_ =	sdelay $0x3  }
0x96: {  	_ =	strace s3  }
0x97: {  	_ =	strace $0x8FFFFFFF  }
0x98: {  	s19 =	sld [smem:$0x3FDB];
	_ =	sdelay $0x1  }
0x99: {  	s4 =	simm.s32 $_scs_section_size  }
0x9a: {  	s5 =	simm.s32 $_size__tile_overlayer_lowered;
	s6 =	simm.s32 $_tile_overlayer_lowered  }
0x9b: {  	s22 =	simm.s32 $0x1BFF;
	s21 =	sshll.u32 s6, $0x1;
	s3 =	sadd.s32 s4, s19  }
0x9c: {  	s7 =	simm.s32 $0x0;
	s20 =	sshll.u32 s5, $0x1;
	s5 =	sadd.s32 s21, s3  }
0x9d: {  	[timem:s7], [sflag:s22] =	dma.local [hbm:s5], s20  }
0x9e: {  	_ =	swait.ge [sflag:s22], s20  }
0x9f: {  	s4 =	ssub.s32 $0x0, s20;
	[sflag:s22] =	ssyncset.done $0x0  }
0xa0: {  	[sflag:s22] =	ssyncadd.s32 s4;
	_ =	sdelay $0x1  }
0xa1: {  	s23 =	simm.s32 $0x1B8B  }
0xa2: {  	_ =	swait.ge [sflag:s23], $0x1  }
0xa3: {  	[sflag:s23] =	ssyncset.done $0x0  }
0xa4: {  	s25 =	simm.s32 $0x1B8E;
	s24 =	sld [smem:$0x3FFE];
	[sflag:s23] =	ssyncadd.s32 $0xFFFFFFFF  }
0xa5: {  	s26 =	simm.s32 $execute0_lowered;
	[smem:$0x3FD2] =	sst s25  }
0xa6: {  	s5 =	sshll.u32 s26, $0x1;
	_ =	strace $0x80000046;
	[dreg:$0x1] =	wrdreg $0xFFFFFFFF  }
0xa7: {  	s28 =	simm.s32 $_size_execute0_lowered;
	s3 =	sadd.s32 s3, s5;
	[dreg:$0x0] =	wrdreg $0x0  }
0xa8: {  	s5 =	sshll.u32 s28, $0x1;
	[dreg:$0x2] =	wrdreg s3  }
0xa9: {  	[dreg:$0x3] =	wrdreg s5  }
0xaa: {  	[dreg:$0x4] =	wrdreg $0xC0  }
0xab: {  	_ =	task [dreg:s7], $0x5FFFF  }
0xac: {  	[dreg:$0x1] =	wrdreg $0xFFFFFFFF  }
0xad: {  	[dreg:$0x0] =	wrdreg $0x60  }
0xae: {  	[dreg:$0x2] =	wrdreg s2  }
0xaf: {  	[dreg:$0x3] =	wrdreg s24  }
0xb0: {  	[dreg:$0x4] =	wrdreg $0x68000  }
0xb1: {  	[dreg:$0x5] =	wrdreg $0x9  }
0xb2: {  	_ =	task.clear_ibuf [dreg:s7], $0x6FFFF;
	_ =	strace $0x90000046  }
0xb3: {  	s29 =	simm.s32 $0x9;
	_ =	strace $0x80000048  }
0xb4: {  	_ =	swait.ge [sflag:s29], $0x1  }
0xb5: {  	[sflag:s29] =	ssyncadd.s32 $0xFFFFFFFF  }
0xb6: {  	_ =	strace $0x90000048  }
0xb7: {  	_ =	sfence  }
0xb8: {  	s30 =	sld [smem:$0x0];
	_ =	sdelay $0x2  }
0xb9: {  	s31 =	sshll.u32 s1, $0xD;
	s1 =	sshrl.u32 s1, $0x2  }
0xba: {  	s3 =	sand.u32 $0x4000, s31;
	s1 =	sadd.s32 s1, s30  }
0xbb: {  	s0 =	sor.u32 s3, s0;
	s1 =	sshll.u32 s1, $0x11  }
0xbc: {  	s0 =	sor.u32 s1, s0  }
0xbd: {  	s0 =	sadd.s32 $0x8F2B, s0  }
0xbe: {  	[sflag:s0] =	ssyncadd.remote.s32 $0x1  }
0xbf: {  	_ =	sfence.sel $0xFFFF  }
0xc0: {  	[dreg:$0x0] =	wrdreg $0xFFFFFFFF;
	(pc) =	sbr.abs _section_cstart, $3  }
0xc1: {  	[dreg:$0x1] =	wrdreg $0xFFFFFFFF  }
0xc2: {  	_ =	task.clear_ibuf [dreg:s7], $0x2FFFF;
	_ =	strace $0x9FFFFFFF  }
0xc3: {  	(tm) =	ssettm $0x7FFFFFFF  }
tec
execute0_lowered:
.L_overlay_start_1:
0x0: {  	(tag) =	ssettag $0x1  }
0x1: {  	s6 =	rddreg [dreg:$0x0]  }
0x2: {  	s7 =	rddreg [dreg:$0x1]  }
0x3: {  	s1 =	rddreg [dreg:$0x2];
	s2 =	srdreg.scid  }
0x4: {  	s0 =	rddreg [dreg:$0x3];
	s3 =	simm.s32 $0x0;
	s14 =	simm.s32 $0x1  }
0x5: {  	s15 =	simm.s32 $0x2800;
	s16 =	simm.s32 $0x80;
	s19 =	simm.s32 $0x0  }
0x6: {  	s8 =	sand.u32 $0x1, s2;
	s2 =	stileid.u32;
	[smem:$0x7FF] =	sst s3  }
0x7: {  	s4 =	sadd.s32 $0x1E00, s7;
	s5 =	sadd.s32 $0x2600, s7;
	s9 =	smul.u32 $0x140000, s8  }
0x8: {  	s10 =	smul.u32 $0x14000, s2;
	_ =	strace $0x80000047;
	s30 =	sshll.u32 s8, $0x4  }
0x9: {  	s8 =	ssub.s32 $0x2, s8;
	s11 =	smul.u32 $0x50000, s2;
	s17 =	sshll.u32 s2, $0x6  }
0xa: {  	s12 =	sshrl.u32 s8, $0x1;
	s9 =	sadd.s32 s10, s9;
	s10 =	sor.u32 s2, s30  }
0xb: {  	s17 =	sor.u32 $0x1C01, s17;
	s9 =	sshrl.u32 s9, $0x3;
	s10 =	smul.u32 $0x500, s10  }
0xc: {  	s12 =	ssub.s32 s8, s12;
	s31 =	sshrl.u32 s11, $0x2;
	s9 =	sadd.s32 s9, s7  }
0xd: {  	s7 =	sadd.s32 s31, s1;
	s6 =	sadd.s32 s6, s10;
	s8 =	sadd.s32 $0x2E00, s9  }
0xe: {  	s9 =	smax.u32 s12, $0x1;
	s10 =	sadd.s32 $0x4000, s7;
	s11 =	sadd.s32 $0x8000, s7  }
0xf: {  	s12 =	sadd.s32 $0xC000, s7;
	s13 =	sadd.s32 $0x10000, s7;
	s18 =	sshrl.u32 s7, $0x3  }
.LBB2_1:
0x10: {  	[tilespmem:s3], [sflag:$0x1] =	stream.linear.gather [hbm4b:s6+s3], $0x2780, $0x38;
	[tilespmem:$0x1A800] =	vst v63  }
0x11: {  	_ =	swait.ge [sflag:s14], $0x2780  }
0x12: {  	[sflag:s14] =	ssyncset.done $0x0  }
0x13: {  	[sflag:s14] =	ssyncadd.s32 $0xFFFFD880  }
0x14: {  	[tilespmem:s15], [sflag:$0x1] =	stream.linear.gather [hbm4b:s4+s3], $0x4000, $0x38;
	[tilespmem:$0x1A800] =	vst v63  }
0x15: {  	_ =	swait.ge [sflag:s14], $0x4000  }
0x16: {  	[sflag:s14] =	ssyncset.done $0x0  }
0x17: {  	[sflag:s14] =	ssyncadd.s32 $0xFFFFC000  }
0x18: {  	[spmem:s7] =	stream.linear.scatter [tilespmem:s15], [sflag:$0x1], $0x4000, $0x38;
	[tilespmem:$0x1A800] =	vst v63  }
0x19: {  	_ =	swait.ge [sflag:s14], $0x4000  }
0x1a: {  	[sflag:s14] =	ssyncset.done $0x0  }
0x1b: {  	[sflag:s14] =	ssyncadd.s32 $0xFFFFC000  }
0x1c: {  	[spmem:s10] =	stream.linear.scatter [tilespmem:s15], [sflag:$0x1], $0x4000, $0x38;
	[tilespmem:$0x1A800] =	vst v63  }
0x1d: {  	_ =	swait.ge [sflag:s14], $0x4000  }
0x1e: {  	[sflag:s14] =	ssyncset.done $0x0  }
0x1f: {  	[sflag:s14] =	ssyncadd.s32 $0xFFFFC000  }
0x20: {  	[spmem:s11] =	stream.linear.scatter [tilespmem:s15], [sflag:$0x1], $0x4000, $0x38;
	[tilespmem:$0x1A800] =	vst v63  }
0x21: {  	_ =	swait.ge [sflag:s14], $0x4000  }
0x22: {  	[sflag:s14] =	ssyncset.done $0x0  }
0x23: {  	[sflag:s14] =	ssyncadd.s32 $0xFFFFC000  }
0x24: {  	[spmem:s12] =	stream.linear.scatter [tilespmem:s15], [sflag:$0x1], $0x4000, $0x38;
	[tilespmem:$0x1A800] =	vst v63  }
0x25: {  	_ =	swait.ge [sflag:s14], $0x4000  }
0x26: {  	[sflag:s14] =	ssyncset.done $0x0  }
0x27: {  	[sflag:s14] =	ssyncadd.s32 $0xFFFFC000  }
0x28: {  	[spmem:s13] =	stream.linear.scatter [tilespmem:s15], [sflag:$0x1], $0x4000, $0x38;
	[tilespmem:$0x1A800] =	vst v63  }
0x29: {  	_ =	swait.ge [sflag:s14], $0x4000  }
0x2a: {  	[sflag:s14] =	ssyncset.done $0x0  }
0x2b: {  	[sflag:s14] =	ssyncadd.s32 $0xFFFFC000  }
0x2c: {  	[tilespmem:s15], [sflag:$0x1] =	stream.linear.gather [hbm4b:s5+s3], $0x4000, $0x38;
	[tilespmem:$0x1A800] =	vst v63  }
0x2d: {  	_ =	swait.ge [sflag:s14], $0x4000  }
0x2e: {  	[sflag:s14] =	ssyncset.done $0x0  }
0x2f: {  	[sflag:s14] =	ssyncadd.s32 $0xFFFFC000  }
0x30: {  	s20 =	simm.s32 $0x0;
	[bflag:$0x0] =	sbarrier.arrive $0xFFFF  }
0x31: {  	[spmem:s1] =	stream.indirect.scatter.add.f32 [tilespmem:s15], [sflag:$0x1], $0x80, s20, s16, $0xb8;
	[tilespmem:$0x1A800] =	vst v63  }
0x32: {  	_ =	swait.ge [sflag:s14], $0x4000  }
0x33: {  	s20 =	simm.s32 $0x200;
	[sflag:s14] =	ssyncset.done $0x0  }
.LBB2_2:
0x34: {  	s21 =	sshra.s32 s20, $0x2;
	[sflag:s14] =	ssyncadd.s32 $0xFFFFC000;
	p0 =	sne.s32 s20, $0x9C00  }
0x35: {  	[spmem:s1] =	stream.indirect.scatter.add.f32 [tilespmem:s15], [sflag:$0x1], $0x80, s21, s16, $0xb8;
	[tilespmem:$0x1A800] =	vst v63  }
.Ltmp0:
0x36: {  	_ = 	snop;
	(pc) =	sbr.rel @p0 .LBB2_2-.Ltmp0, $4  }
0x37: {  	_ = 	snop  }
0x38: {  	s20 =	sadd.s32 $0x200, s20  }
0x39: {  	_ =	swait.ge [sflag:s14], $0x4000  }
0x3a: {  	[sflag:s14] =	ssyncset.done $0x0  }
0x3b: {  	s19 =	sadd.s32 $0x1, s19  }
0x3c: {  	[sflag:s14] =	ssyncadd.s32 $0xFFFFC000;
	p0 =	sne.s32 s19, s9  }
.Ltmp1:
0x3d: {  	[bflag:$0x0] =	sbarrier.arrive $0xFFFF;
	(pc) =	sbr.rel @p0 .LBB2_1-.Ltmp1, $4  }
0x3e: {  	[hbm:s8], [sflag:s17] =	dma.local [spmem:s18], $0x2800  }
0x3f: {  	_ =	swait.ge [sflag:s14], $0x2800  }
0x40: {  	[sflag:s14] =	ssyncset.done $0x0  }
0x41: {  	[sflag:s14] =	ssyncadd.s32 $0xFFFFD800  }
0x42: {  	_ =	sfence.sel $0x180000  }
0x43: {  	[bflag:$0x0] =	sbarrier.arrive $0xFFFF  }
0x44: {  	p0 =	sne.s32 s2, $0x0;
	_ =	strace $0x90000047  }
0x45: {  	s0 =	sadd.s32 @!p0 $0x100000, s0;
	[bflag:$0x2] =	sbarrier.arrive $0xFFFF  }
0x46: {  	[sflag:s0] =	ssyncadd.tile.s32 @!p0 $0x1;
	_ =	shalt  }
.Lfunc_end2:
_tile_overlayer_lowered:
.L_overlay_start_2:
0x47: {  	(tag) =	ssettag $0x2  }
0x48: {  	s0 =	rddreg [dreg:$0x0];
	s2 =	stileid.u32  }
0x49: {  	s1 =	rddreg [dreg:$0x1];
	p0 =	sne.s32 s2, $0x0  }
0x4a: {  	s3 =	rddreg [dreg:$0x2];
	[bflag:$0x3] =	sbarrier.arrive $0xFFFF;
	s2 =	simm.s32 @!p0 $0x1C01  }
0x4b: {  	[timem:s3], [sflag:s2] =	dma.local @!p0 [hbm:s0], s1  }
0x4c: {  	s0 =	simm.s32 @!p0 $0x1  }
0x4d: {  	_ =	swait.ge @!p0 [sflag:s0], s1  }
0x4e: {  	s1 =	ssub.s32 @!p0 $0x0, s1;
	[sflag:s0] =	ssyncset.done @!p0 $0x0  }
0x4f: {  	[sflag:s0] =	ssyncadd.s32 @!p0 s1  }
0x50: {  	[bflag:$0x3] =	sbarrier.arrive $0xFFFF  }
0x51: {  	_ =	shalt  }

</sc_bundles>
